<compile_context>
chip_gen: v7x
topology: tpu7x:2x2x1
jax: 0.10.2.dev20260603
libtpu: 0.0.44.dev20260713+nightly
codegen_flags: <defaults>
</compile_context>

<pallas_src>
import functools

import jax
import jax.numpy as jnp
from jax import lax
from jax.experimental import pallas as pl
from jax.experimental.pallas import tpu as pltpu
from jax.experimental.pallas import tpu_sc as plsc

N = 10000
E = 320000
NC, NS = 2, 16
NT = NC * NS
CHUNK = 128
EPT = 10240
NCHUNK = EPT // CHUNK
EPAD = NT * EPT - E
NPAD = 10240
RPT = NPAD // NS
ROWBLK = 400
GRID = N // ROWBLK

_mesh = plsc.VectorSubcoreMesh(
    core_axis_name="c", subcore_axis_name="s", num_cores=NC, num_subcores=NS)


def _make_agg(w):

  @functools.partial(
      pl.kernel,
      out_type=jax.ShapeDtypeStruct((NC, NPAD, w), jnp.float32),
      mesh=_mesh,
      compiler_params=pltpu.CompilerParams(use_tc_tiling_on_sc=False),
      scratch_types=[
          pltpu.VMEM((NCHUNK, CHUNK), jnp.int32),
          pltpu.VMEM((NCHUNK, CHUNK), jnp.int32),
          pltpu.VMEM((CHUNK, w), jnp.float32),
          pltpu.VMEM_SHARED((NPAD, w), jnp.float32),
          pltpu.SemaphoreType.DMA,
      ],
  )
  def agg(g_hbm, src_hbm, dst_hbm, zeros_hbm, out_hbm,
          src_v, dst_v, rows_v, acc, gsem):
    c = lax.axis_index("c")
    s = lax.axis_index("s")
    tile = s * NC + c
    pltpu.sync_copy(zeros_hbm.at[pl.ds(s * RPT, RPT)],
                    acc.at[pl.ds(s * RPT, RPT)])
    pltpu.sync_copy(src_hbm.at[tile], src_v)
    pltpu.sync_copy(dst_hbm.at[tile], dst_v)
    plsc.subcore_barrier()

    def body(j, carry):
      pltpu.async_copy(g_hbm.at[src_v.at[j]], rows_v, gsem).wait()
      pltpu.sync_copy(rows_v, acc.at[dst_v.at[j]], add=True)
      return carry

    lax.fori_loop(0, NCHUNK, body, 0)
    plsc.subcore_barrier()
    pltpu.sync_copy(acc.at[pl.ds(s * RPT, RPT)],
                    out_hbm.at[c, pl.ds(s * RPT, RPT)])

  return agg


_agg32 = _make_agg(32)
_agg16 = _make_agg(16)


@functools.partial(
    pl.kernel,
    out_type=jax.ShapeDtypeStruct((NC, NPAD, 8), jnp.float32),
    mesh=_mesh,
    compiler_params=pltpu.CompilerParams(use_tc_tiling_on_sc=False),
    scratch_types=[
        pltpu.VMEM((NCHUNK, CHUNK), jnp.int32),
        pltpu.VMEM((CHUNK, 8), jnp.float32),
        pltpu.VMEM_SHARED((NPAD, 8), jnp.float32),
    ],
)
def _deg(dst_hbm, ones_hbm, zeros_hbm, out_hbm, dst_v, ones_v, acc):
  c = lax.axis_index("c")
  s = lax.axis_index("s")
  tile = s * NC + c
  pltpu.sync_copy(zeros_hbm.at[pl.ds(s * RPT, RPT)],
                  acc.at[pl.ds(s * RPT, RPT)])
  pltpu.sync_copy(dst_hbm.at[tile], dst_v)
  pltpu.sync_copy(ones_hbm, ones_v)
  plsc.subcore_barrier()

  def body(j, carry):
    pltpu.sync_copy(ones_v, acc.at[dst_v.at[j]], add=True)
    return carry

  lax.fori_loop(0, NCHUNK, body, 0)
  plsc.subcore_barrier()
  pltpu.sync_copy(acc.at[pl.ds(s * RPT, RPT)],
                  out_hbm.at[c, pl.ds(s * RPT, RPT)])


def _dinv_of(degp_ref):
  deg = degp_ref[0, :, 0:1] + degp_ref[1, :, 0:1] + 1.0
  return lax.rsqrt(deg)


def _tc_a(x, degp, W1):

  def body(x_ref, degp_ref, w_ref, g_ref):
    dinv = _dinv_of(degp_ref)
    h = jnp.dot(x_ref[...], w_ref[...], preferred_element_type=jnp.float32)
    g_ref[...] = dinv * h

  return pl.pallas_call(
      body,
      grid=(GRID,),
      in_specs=[
          pl.BlockSpec((ROWBLK, 128), lambda i: (i, 0)),
          pl.BlockSpec((2, ROWBLK, 8), lambda i: (0, i, 0)),
          pl.BlockSpec((128, 32), lambda i: (0, 0)),
      ],
      out_specs=pl.BlockSpec((ROWBLK, 32), lambda i: (i, 0)),
      out_shape=jax.ShapeDtypeStruct((N, 32), jnp.float32),
  )(x, degp, W1)


def _make_tc_mid(w_out):

  def body(p_ref, g_ref, degp_ref, b_ref, w_ref, o_ref):
    dinv = _dinv_of(degp_ref)
    s = dinv * (p_ref[0] + p_ref[1] + g_ref[...]) + b_ref[...]
    o = jnp.maximum(s, 0.0)
    o_ref[...] = dinv * jnp.dot(o, w_ref[...],
                                preferred_element_type=jnp.float32)

  def call(p, g, degp, b, Wn):
    return pl.pallas_call(
        body,
        grid=(GRID,),
        in_specs=[
            pl.BlockSpec((2, ROWBLK, 32), lambda i: (0, i, 0)),
            pl.BlockSpec((ROWBLK, 32), lambda i: (i, 0)),
            pl.BlockSpec((2, ROWBLK, 8), lambda i: (0, i, 0)),
            pl.BlockSpec((1, 32), lambda i: (0, 0)),
            pl.BlockSpec((32, w_out), lambda i: (0, 0)),
        ],
        out_specs=pl.BlockSpec((ROWBLK, w_out), lambda i: (i, 0)),
        out_shape=jax.ShapeDtypeStruct((N, w_out), jnp.float32),
    )(p, g, degp, b, Wn)

  return call


_tc_mid32 = _make_tc_mid(32)
_tc_mid16 = _make_tc_mid(16)


def _tc_out(p, g, degp, b):

  def body(p_ref, g_ref, degp_ref, b_ref, o_ref):
    dinv = _dinv_of(degp_ref)
    s = dinv * (p_ref[0] + p_ref[1] + g_ref[...]) + b_ref[...]
    col = lax.broadcasted_iota(jnp.int32, (ROWBLK, 16), 1)
    mask = col < 12
    m = jnp.max(jnp.where(mask, s, -1e30), axis=1, keepdims=True)
    e = jnp.where(mask, jnp.exp(s - m), 0.0)
    lse = jnp.log(jnp.sum(e, axis=1, keepdims=True))
    o_ref[...] = s - m - lse

  return pl.pallas_call(
      body,
      grid=(GRID,),
      in_specs=[
          pl.BlockSpec((2, ROWBLK, 16), lambda i: (0, i, 0)),
          pl.BlockSpec((ROWBLK, 16), lambda i: (i, 0)),
          pl.BlockSpec((2, ROWBLK, 8), lambda i: (0, i, 0)),
          pl.BlockSpec((1, 16), lambda i: (0, 0)),
      ],
      out_specs=pl.BlockSpec((ROWBLK, 16), lambda i: (i, 0)),
      out_shape=jax.ShapeDtypeStruct((N, 16), jnp.float32),
  )(p, g, degp, b)


def kernel(x, edge_index, edge_attr, W1, b1, W2, b2, W3, b3):
  f32 = jnp.float32
  src = edge_index[0].astype(jnp.int32)
  dst = edge_index[1].astype(jnp.int32)
  ar = jnp.arange(EPAD, dtype=jnp.int32)
  pad_src = (ar * 37) % N
  pad_dst = N + ar % (NPAD - N)
  srcp = jnp.concatenate([src, pad_src]).reshape(NT, NCHUNK, CHUNK)
  dstp = jnp.concatenate([dst, pad_dst]).reshape(NT, NCHUNK, CHUNK)

  zeros8 = jnp.zeros((NPAD, 8), f32)
  zeros32 = jnp.zeros((NPAD, 32), f32)
  zeros16 = jnp.zeros((NPAD, 16), f32)
  ones8 = jnp.ones((CHUNK, 8), f32)
  W3p = jnp.pad(W3, ((0, 0), (0, 4)))
  b3p = jnp.pad(b3, (0, 4)).reshape(1, 16)

  degp = _deg(dstp, ones8, zeros8)[:, :N, :]

  g1 = _tc_a(x, degp, W1)
  p1 = _agg32(g1, srcp, dstp, zeros32)[:, :N, :]
  g2 = _tc_mid32(p1, g1, degp, b1.reshape(1, 32), W2)
  p2 = _agg32(g2, srcp, dstp, zeros32)[:, :N, :]
  g3 = _tc_mid16(p2, g2, degp, b2.reshape(1, 32), W3p)
  p3 = _agg16(g3, srcp, dstp, zeros16)[:, :N, :]
  out = _tc_out(p3, g3, degp, b3p)
  return out[:, :12]

# --- scband reference (transcript-rebuilt; emitter-appended) ---
"""Pipeline reference for scband-qm9-gcn-62045097558428 (READ-ONLY COPY).

The authoritative reference and input builder live on the scoring server;
editing this copy changes nothing except your own understanding.
"""

import jax, jax.numpy as jnp
import numpy as np

N_NODES = 10000
N_EDGES = 320000
D_IN = 128
D_HID = 32
D_OUT = 12
D_EDGE = 4


def gcn_conv(x, edge_index, W, b):
    # Faithful PyG GCNConv: linear transform, add self-loops, symmetric
    # deg^{-1/2} A_hat deg^{-1/2} normalization, scatter-add aggregation, bias.
    N = x.shape[0]
    loop = jnp.arange(N, dtype=edge_index.dtype)
    src = jnp.concatenate([edge_index[0], loop])
    dst = jnp.concatenate([edge_index[1], loop])
    deg = jnp.zeros((N,), dtype=x.dtype).at[dst].add(1.0)
    dinv = jnp.where(deg > 0, jax.lax.rsqrt(deg), 0.0)
    norm = dinv[src] * dinv[dst]
    h = x @ W
    msg = h[src] * norm[:, None]
    out = jnp.zeros((N, W.shape[1]), dtype=x.dtype).at[dst].add(msg)
    return out + b


def setup_inputs(seed: int = 0) -> dict:
    key = jax.random.key(seed)
    ks = jax.random.split(key, 9)
    x = jax.random.normal(ks[0], (N_NODES, D_IN), dtype=jnp.float32)
    edge_index = jax.random.randint(ks[1], (2, N_EDGES), 0, N_NODES, dtype=jnp.int64)
    edge_attr = jax.random.normal(ks[2], (N_EDGES, D_EDGE), dtype=jnp.float32)
    W1 = jax.random.normal(ks[3], (D_IN, D_HID), dtype=jnp.float32) * (1.0 / np.sqrt(D_IN))
    b1 = jnp.zeros((D_HID,), dtype=jnp.float32)
    W2 = jax.random.normal(ks[4], (D_HID, D_HID), dtype=jnp.float32) * (1.0 / np.sqrt(D_HID))
    b2 = jnp.zeros((D_HID,), dtype=jnp.float32)
    W3 = jax.random.normal(ks[5], (D_HID, D_OUT), dtype=jnp.float32) * (1.0 / np.sqrt(D_HID))
    b3 = jnp.zeros((D_OUT,), dtype=jnp.float32)
    return {"x": x, "edge_index": edge_index, "edge_attr": edge_attr,
            "W1": W1, "b1": b1, "W2": W2, "b2": b2, "W3": W3, "b3": b3}


def reference(x, edge_index, edge_attr, W1, b1, W2, b2, W3, b3):
    # edge_attr is unpacked by the original forward but unused by GCNConv
    h = gcn_conv(x, edge_index, W1, b1)
    h = jax.nn.relu(h)
    h = gcn_conv(h, edge_index, W2, b2)
    h = jax.nn.relu(h)
    h = gcn_conv(h, edge_index, W3, b3)
    return jax.nn.log_softmax(h, axis=1)

if __name__ == "__main__":
    import jax
    _d = setup_inputs()
    print(jax.jit(kernel)(*tuple(_d.values())))

</pallas_src>

<mosaic_0001>
#map = affine_map<(d0, d1) -> (0, 0, 0)>
#map1 = affine_map<(d0, d1) -> (0, 0)>
module attributes {stable_mosaic.version = 14 : i64} {
  func.func @_deg(%arg0: i32, %arg1: i32, %arg2: memref<32x80x128xi32, #tpu.memory_space<hbm>>, %arg3: memref<128x8xf32, #tpu.memory_space<hbm>>, %arg4: memref<10240x8xf32, #tpu.memory_space<hbm>>, %arg5: memref<2x10240x8xf32, #tpu.memory_space<hbm>>, %arg6: memref<80x128xi32, #tpu.memory_space<vmem>>, %arg7: memref<128x8xf32, #tpu.memory_space<vmem>>, %arg8: memref<10240x8xf32, #tpu.memory_space<vmem_shared>>) attributes {dimension_semantics = [#tpu.dimension_semantics<core_parallel>, #tpu.dimension_semantics<subcore_parallel>], iteration_bounds = array<i64: 2, 16>, scalar_prefetch = 0 : i64, scratch_operands = 3 : i64, tpu.core_type = #tpu.core_type<sc_vector_subcore>, window_params = [{transform_indices = #map}, {transform_indices = #map1}, {transform_indices = #map1}, {transform_indices = #map}]} {
    %mul3A = arith.constant 2 : i32
    %mul3A_0 = arith.muli %arg1, %mul3A : i32
    %add3A = arith.addi %mul3A_0, %arg0 : i32
    %mul3A_1 = arith.constant 640 : i32
    %mul3A_2 = arith.muli %arg1, %mul3A_1 : i32
    %mul3A_3 = arith.constant 640 : i32
    %mul3A_4 = arith.muli %arg1, %mul3A_3 : i32
    "tpu.region"() ({
      %run_scoped3A = tpu.sem_alloc : memref<!tpu.dma_semaphore, #tpu.memory_space<semaphore_mem>>
      %dma_start3A = arith.constant 0 : i32
      %dma_start3A_15 = tpu.memref_slice %arg8[%mul3A_4, %dma_start3A] : memref<10240x8xf32, #tpu.memory_space<vmem_shared>> -> memref<640x8xf32, #tpu.memory_space<vmem_shared>>
      %dma_start3A_16 = arith.constant 0 : i32
      %dma_start3A_17 = tpu.memref_slice %arg4[%mul3A_2, %dma_start3A_16] : memref<10240x8xf32, #tpu.memory_space<hbm>> -> memref<640x8xf32, #tpu.memory_space<hbm>>
      tpu.enqueue_dma source(%dma_start3A_17 : memref<640x8xf32, #tpu.memory_space<hbm>>) target(%dma_start3A_15 : memref<640x8xf32, #tpu.memory_space<vmem_shared>>) target_semaphore(%run_scoped3A : memref<!tpu.dma_semaphore, #tpu.memory_space<semaphore_mem>>)
      %dma_wait3A = arith.constant 0 : i32
      %dma_wait3A_18 = tpu.memref_slice %arg8[%mul3A_4, %dma_wait3A] : memref<10240x8xf32, #tpu.memory_space<vmem_shared>> -> memref<640x8xf32, #tpu.memory_space<vmem_shared>>
      %dma_wait3A_19 = arith.constant 0 : i32
      %dma_wait3A_20 = tpu.memref_slice %arg4[%mul3A_2, %dma_wait3A_19] : memref<10240x8xf32, #tpu.memory_space<hbm>> -> memref<640x8xf32, #tpu.memory_space<hbm>>
      tpu.wait_dma2 semaphore(%run_scoped3A : memref<!tpu.dma_semaphore, #tpu.memory_space<semaphore_mem>>) src(%dma_wait3A_20 : memref<640x8xf32, #tpu.memory_space<hbm>>) dst(%dma_wait3A_18 : memref<640x8xf32, #tpu.memory_space<vmem_shared>>)
      tpu.yield
    }) : () -> ()
    "tpu.region"() ({
      %run_scoped3A = tpu.sem_alloc : memref<!tpu.dma_semaphore, #tpu.memory_space<semaphore_mem>>
      %dma_start3A = arith.constant 0 : i32
      %dma_start3A_15 = arith.constant 0 : i32
      %dma_start3A_16 = tpu.memref_slice %arg2[%add3A, %dma_start3A, %dma_start3A_15] : memref<32x80x128xi32, #tpu.memory_space<hbm>> -> memref<1x80x128xi32, #tpu.memory_space<hbm>>
      %dma_start3A_17 = tpu.memref_squeeze %dma_start3A_16 : memref<1x80x128xi32, #tpu.memory_space<hbm>> -> memref<80x128xi32, #tpu.memory_space<hbm>>
      %dma_start3A_18 = arith.constant 0 : i32
      %dma_start3A_19 = arith.constant 0 : i32
      %dma_start3A_20 = tpu.memref_slice %arg2[%add3A, %dma_start3A_18, %dma_start3A_19] : memref<32x80x128xi32, #tpu.memory_space<hbm>> -> memref<1x80x128xi32, #tpu.memory_space<hbm>>
      %dma_start3A_21 = tpu.memref_squeeze %dma_start3A_20 : memref<1x80x128xi32, #tpu.memory_space<hbm>> -> memref<80x128xi32, #tpu.memory_space<hbm>>
      tpu.enqueue_dma source(%dma_start3A_21 : memref<80x128xi32, #tpu.memory_space<hbm>>) target(%arg6 : memref<80x128xi32, #tpu.memory_space<vmem>>) target_semaphore(%run_scoped3A : memref<!tpu.dma_semaphore, #tpu.memory_space<semaphore_mem>>)
      %dma_wait3A = arith.constant 0 : i32
      %dma_wait3A_22 = arith.constant 0 : i32
      %dma_wait3A_23 = tpu.memref_slice %arg2[%add3A, %dma_wait3A, %dma_wait3A_22] : memref<32x80x128xi32, #tpu.memory_space<hbm>> -> memref<1x80x128xi32, #tpu.memory_space<hbm>>
      %dma_wait3A_24 = tpu.memref_squeeze %dma_wait3A_23 : memref<1x80x128xi32, #tpu.memory_space<hbm>> -> memref<80x128xi32, #tpu.memory_space<hbm>>
      %dma_wait3A_25 = arith.constant 0 : i32
      %dma_wait3A_26 = arith.constant 0 : i32
      %dma_wait3A_27 = tpu.memref_slice %arg2[%add3A, %dma_wait3A_25, %dma_wait3A_26] : memref<32x80x128xi32, #tpu.memory_space<hbm>> -> memref<1x80x128xi32, #tpu.memory_space<hbm>>
      %dma_wait3A_28 = tpu.memref_squeeze %dma_wait3A_27 : memref<1x80x128xi32, #tpu.memory_space<hbm>> -> memref<80x128xi32, #tpu.memory_space<hbm>>
      tpu.wait_dma2 semaphore(%run_scoped3A : memref<!tpu.dma_semaphore, #tpu.memory_space<semaphore_mem>>) src(%dma_wait3A_28 : memref<80x128xi32, #tpu.memory_space<hbm>>) dst(%arg6 : memref<80x128xi32, #tpu.memory_space<vmem>>)
      tpu.yield
    }) : () -> ()
    "tpu.region"() ({
      %run_scoped3A = tpu.sem_alloc : memref<!tpu.dma_semaphore, #tpu.memory_space<semaphore_mem>>
      tpu.enqueue_dma source(%arg3 : memref<128x8xf32, #tpu.memory_space<hbm>>) target(%arg7 : memref<128x8xf32, #tpu.memory_space<vmem>>) target_semaphore(%run_scoped3A : memref<!tpu.dma_semaphore, #tpu.memory_space<semaphore_mem>>)
      tpu.wait_dma2 semaphore(%run_scoped3A : memref<!tpu.dma_semaphore, #tpu.memory_space<semaphore_mem>>) src(%arg3 : memref<128x8xf32, #tpu.memory_space<hbm>>) dst(%arg7 : memref<128x8xf32, #tpu.memory_space<vmem>>)
      tpu.yield
    }) : () -> ()
    %barrier3A = arith.constant 0 : index
    tpu.barrier barrier_id(%barrier3A)
    %scan3A = arith.constant 0 : i32
    %scan3A_5 = arith.constant 0 : i32
    %scan3A_6 = arith.constant 80 : i32
    %scan3A_7 = arith.addi %scan3A_5, %scan3A_6 : i32
    %scan3A_8 = arith.constant 1 : i32
    scf.for %scan3A_15 = %scan3A_5 to %scan3A_7 step %scan3A_8  : i32 {
      "tpu.region"() ({
        %run_scoped3A = tpu.sem_alloc : memref<!tpu.dma_semaphore, #tpu.memory_space<semaphore_mem>>
        %dma_start3A = arith.constant 0 : i32
        %dma_start3A_16 = tpu.memref_slice %arg6[%scan3A_15, %dma_start3A] : memref<80x128xi32, #tpu.memory_space<vmem>> -> memref<1x128xi32, #tpu.memory_space<vmem>>
        %dma_start3A_17 = tpu.memref_squeeze %dma_start3A_16 : memref<1x128xi32, #tpu.memory_space<vmem>> -> memref<128xi32, #tpu.memory_space<vmem>>
        %dma_start3A_18 = arith.constant 0 : i32
        %dma_start3A_19 = arith.constant 0 : i32
        %dma_start3A_20 = tpu.memref_slice %arg8[%dma_start3A_18, %dma_start3A_19] : memref<10240x8xf32, #tpu.memory_space<vmem_shared>> -> memref<10240x8xf32, #tpu.memory_space<vmem_shared>>
        tpu.enqueue_indirect_dma source(%arg7 : memref<128x8xf32, #tpu.memory_space<vmem>>) target(%dma_start3A_20 : memref<10240x8xf32, #tpu.memory_space<vmem_shared>>) offsets(%dma_start3A_17 : memref<128xi32, #tpu.memory_space<vmem>>) semaphore(%run_scoped3A : memref<!tpu.dma_semaphore, #tpu.memory_space<semaphore_mem>>) {add = true}
        %dma_wait3A = arith.constant 0 : i32
        %dma_wait3A_21 = tpu.memref_slice %arg6[%scan3A_15, %dma_wait3A] : memref<80x128xi32, #tpu.memory_space<vmem>> -> memref<1x128xi32, #tpu.memory_space<vmem>>
        %dma_wait3A_22 = tpu.memref_squeeze %dma_wait3A_21 : memref<1x128xi32, #tpu.memory_space<vmem>> -> memref<128xi32, #tpu.memory_space<vmem>>
        %dma_wait3A_23 = arith.constant 0 : i32
        %dma_wait3A_24 = arith.constant 0 : i32
        %dma_wait3A_25 = tpu.memref_slice %arg8[%dma_wait3A_23, %dma_wait3A_24] : memref<10240x8xf32, #tpu.memory_space<vmem_shared>> -> memref<10240x8xf32, #tpu.memory_space<vmem_shared>>
        tpu.wait_indirect_dma semaphore(%run_scoped3A : memref<!tpu.dma_semaphore, #tpu.memory_space<semaphore_mem>>) src(%arg7 : memref<128x8xf32, #tpu.memory_space<vmem>>) dst(%dma_wait3A_25 : memref<10240x8xf32, #tpu.memory_space<vmem_shared>>)
        tpu.yield
      }) : () -> ()
    }
    %scan3A_9 = arith.constant 80 : i32
    %barrier3A_10 = arith.constant 0 : index
    tpu.barrier barrier_id(%barrier3A_10)
    %mul3A_11 = arith.constant 640 : i32
    %mul3A_12 = arith.muli %arg1, %mul3A_11 : i32
    %mul3A_13 = arith.constant 640 : i32
    %mul3A_14 = arith.muli %arg1, %mul3A_13 : i32
    "tpu.region"() ({
      %run_scoped3A = tpu.sem_alloc : memref<!tpu.dma_semaphore, #tpu.memory_space<semaphore_mem>>
      %dma_start3A = arith.constant 0 : i32
      %dma_start3A_15 = tpu.memref_slice %arg5[%arg0, %mul3A_14, %dma_start3A] : memref<2x10240x8xf32, #tpu.memory_space<hbm>> -> memref<1x640x8xf32, #tpu.memory_space<hbm>>
      %dma_start3A_16 = tpu.memref_squeeze %dma_start3A_15 : memref<1x640x8xf32, #tpu.memory_space<hbm>> -> memref<640x8xf32, #tpu.memory_space<hbm>>
      %dma_start3A_17 = arith.constant 0 : i32
      %dma_start3A_18 = tpu.memref_slice %arg8[%mul3A_12, %dma_start3A_17] : memref<10240x8xf32, #tpu.memory_space<vmem_shared>> -> memref<640x8xf32, #tpu.memory_space<vmem_shared>>
      tpu.enqueue_dma source(%dma_start3A_18 : memref<640x8xf32, #tpu.memory_space<vmem_shared>>) target(%dma_start3A_16 : memref<640x8xf32, #tpu.memory_space<hbm>>) target_semaphore(%run_scoped3A : memref<!tpu.dma_semaphore, #tpu.memory_space<semaphore_mem>>)
      %dma_wait3A = arith.constant 0 : i32
      %dma_wait3A_19 = tpu.memref_slice %arg5[%arg0, %mul3A_14, %dma_wait3A] : memref<2x10240x8xf32, #tpu.memory_space<hbm>> -> memref<1x640x8xf32, #tpu.memory_space<hbm>>
      %dma_wait3A_20 = tpu.memref_squeeze %dma_wait3A_19 : memref<1x640x8xf32, #tpu.memory_space<hbm>> -> memref<640x8xf32, #tpu.memory_space<hbm>>
      %dma_wait3A_21 = arith.constant 0 : i32
      %dma_wait3A_22 = tpu.memref_slice %arg8[%mul3A_12, %dma_wait3A_21] : memref<10240x8xf32, #tpu.memory_space<vmem_shared>> -> memref<640x8xf32, #tpu.memory_space<vmem_shared>>
      tpu.wait_dma2 semaphore(%run_scoped3A : memref<!tpu.dma_semaphore, #tpu.memory_space<semaphore_mem>>) src(%dma_wait3A_22 : memref<640x8xf32, #tpu.memory_space<vmem_shared>>) dst(%dma_wait3A_20 : memref<640x8xf32, #tpu.memory_space<hbm>>)
      tpu.yield
    }) : () -> ()
    return
  }
}

#map = affine_map<(d0, d1) -> (0, 0)>
#map1 = affine_map<(d0, d1) -> (0, 0, 0)>
module attributes {stable_mosaic.version = 14 : i64} {
  func.func @agg(%arg0: i32, %arg1: i32, %arg2: memref<10000x32xf32, #tpu.memory_space<hbm>>, %arg3: memref<32x80x128xi32, #tpu.memory_space<hbm>>, %arg4: memref<32x80x128xi32, #tpu.memory_space<hbm>>, %arg5: memref<10240x32xf32, #tpu.memory_space<hbm>>, %arg6: memref<2x10240x32xf32, #tpu.memory_space<hbm>>, %arg7: memref<80x128xi32, #tpu.memory_space<vmem>>, %arg8: memref<80x128xi32, #tpu.memory_space<vmem>>, %arg9: memref<128x32xf32, #tpu.memory_space<vmem>>, %arg10: memref<10240x32xf32, #tpu.memory_space<vmem_shared>>, %arg11: memref<!tpu.dma_semaphore, #tpu.memory_space<semaphore_mem>>) attributes {dimension_semantics = [#tpu.dimension_semantics<core_parallel>, #tpu.dimension_semantics<subcore_parallel>], iteration_bounds = array<i64: 2, 16>, scalar_prefetch = 0 : i64, scratch_operands = 5 : i64, tpu.core_type = #tpu.core_type<sc_vector_subcore>, window_params = [{transform_indices = #map}, {transform_indices = #map1}, {transform_indices = #map1}, {transform_indices = #map}, {transform_indices = #map1}]} {
    %mul3A = arith.constant 2 : i32
    %mul3A_0 = arith.muli %arg1, %mul3A : i32
    %add3A = arith.addi %mul3A_0, %arg0 : i32
    %mul3A_1 = arith.constant 640 : i32
    %mul3A_2 = arith.muli %arg1, %mul3A_1 : i32
    %mul3A_3 = arith.constant 640 : i32
    %mul3A_4 = arith.muli %arg1, %mul3A_3 : i32
    "tpu.region"() ({
      %run_scoped3A = tpu.sem_alloc : memref<!tpu.dma_semaphore, #tpu.memory_space<semaphore_mem>>
      %dma_start3A = arith.constant 0 : i32
      %dma_start3A_15 = tpu.memref_slice %arg10[%mul3A_4, %dma_start3A] : memref<10240x32xf32, #tpu.memory_space<vmem_shared>> -> memref<640x32xf32, #tpu.memory_space<vmem_shared>>
      %dma_start3A_16 = arith.constant 0 : i32
      %dma_start3A_17 = tpu.memref_slice %arg5[%mul3A_2, %dma_start3A_16] : memref<10240x32xf32, #tpu.memory_space<hbm>> -> memref<640x32xf32, #tpu.memory_space<hbm>>
      tpu.enqueue_dma source(%dma_start3A_17 : memref<640x32xf32, #tpu.memory_space<hbm>>) target(%dma_start3A_15 : memref<640x32xf32, #tpu.memory_space<vmem_shared>>) target_semaphore(%run_scoped3A : memref<!tpu.dma_semaphore, #tpu.memory_space<semaphore_mem>>)
      %dma_wait3A = arith.constant 0 : i32
      %dma_wait3A_18 = tpu.memref_slice %arg10[%mul3A_4, %dma_wait3A] : memref<10240x32xf32, #tpu.memory_space<vmem_shared>> -> memref<640x32xf32, #tpu.memory_space<vmem_shared>>
      %dma_wait3A_19 = arith.constant 0 : i32
      %dma_wait3A_20 = tpu.memref_slice %arg5[%mul3A_2, %dma_wait3A_19] : memref<10240x32xf32, #tpu.memory_space<hbm>> -> memref<640x32xf32, #tpu.memory_space<hbm>>
      tpu.wait_dma2 semaphore(%run_scoped3A : memref<!tpu.dma_semaphore, #tpu.memory_space<semaphore_mem>>) src(%dma_wait3A_20 : memref<640x32xf32, #tpu.memory_space<hbm>>) dst(%dma_wait3A_18 : memref<640x32xf32, #tpu.memory_space<vmem_shared>>)
      tpu.yield
    }) : () -> ()
    "tpu.region"() ({
      %run_scoped3A = tpu.sem_alloc : memref<!tpu.dma_semaphore, #tpu.memory_space<semaphore_mem>>
      %dma_start3A = arith.constant 0 : i32
      %dma_start3A_15 = arith.constant 0 : i32
      %dma_start3A_16 = tpu.memref_slice %arg3[%add3A, %dma_start3A, %dma_start3A_15] : memref<32x80x128xi32, #tpu.memory_space<hbm>> -> memref<1x80x128xi32, #tpu.memory_space<hbm>>
      %dma_start3A_17 = tpu.memref_squeeze %dma_start3A_16 : memref<1x80x128xi32, #tpu.memory_space<hbm>> -> memref<80x128xi32, #tpu.memory_space<hbm>>
      %dma_start3A_18 = arith.constant 0 : i32
      %dma_start3A_19 = arith.constant 0 : i32
      %dma_start3A_20 = tpu.memref_slice %arg3[%add3A, %dma_start3A_18, %dma_start3A_19] : memref<32x80x128xi32, #tpu.memory_space<hbm>> -> memref<1x80x128xi32, #tpu.memory_space<hbm>>
      %dma_start3A_21 = tpu.memref_squeeze %dma_start3A_20 : memref<1x80x128xi32, #tpu.memory_space<hbm>> -> memref<80x128xi32, #tpu.memory_space<hbm>>
      tpu.enqueue_dma source(%dma_start3A_21 : memref<80x128xi32, #tpu.memory_space<hbm>>) target(%arg7 : memref<80x128xi32, #tpu.memory_space<vmem>>) target_semaphore(%run_scoped3A : memref<!tpu.dma_semaphore, #tpu.memory_space<semaphore_mem>>)
      %dma_wait3A = arith.constant 0 : i32
      %dma_wait3A_22 = arith.constant 0 : i32
      %dma_wait3A_23 = tpu.memref_slice %arg3[%add3A, %dma_wait3A, %dma_wait3A_22] : memref<32x80x128xi32, #tpu.memory_space<hbm>> -> memref<1x80x128xi32, #tpu.memory_space<hbm>>
      %dma_wait3A_24 = tpu.memref_squeeze %dma_wait3A_23 : memref<1x80x128xi32, #tpu.memory_space<hbm>> -> memref<80x128xi32, #tpu.memory_space<hbm>>
      %dma_wait3A_25 = arith.constant 0 : i32
      %dma_wait3A_26 = arith.constant 0 : i32
      %dma_wait3A_27 = tpu.memref_slice %arg3[%add3A, %dma_wait3A_25, %dma_wait3A_26] : memref<32x80x128xi32, #tpu.memory_space<hbm>> -> memref<1x80x128xi32, #tpu.memory_space<hbm>>
      %dma_wait3A_28 = tpu.memref_squeeze %dma_wait3A_27 : memref<1x80x128xi32, #tpu.memory_space<hbm>> -> memref<80x128xi32, #tpu.memory_space<hbm>>
      tpu.wait_dma2 semaphore(%run_scoped3A : memref<!tpu.dma_semaphore, #tpu.memory_space<semaphore_mem>>) src(%dma_wait3A_28 : memref<80x128xi32, #tpu.memory_space<hbm>>) dst(%arg7 : memref<80x128xi32, #tpu.memory_space<vmem>>)
      tpu.yield
    }) : () -> ()
    "tpu.region"() ({
      %run_scoped3A = tpu.sem_alloc : memref<!tpu.dma_semaphore, #tpu.memory_space<semaphore_mem>>
      %dma_start3A = arith.constant 0 : i32
      %dma_start3A_15 = arith.constant 0 : i32
      %dma_start3A_16 = tpu.memref_slice %arg4[%add3A, %dma_start3A, %dma_start3A_15] : memref<32x80x128xi32, #tpu.memory_space<hbm>> -> memref<1x80x128xi32, #tpu.memory_space<hbm>>
      %dma_start3A_17 = tpu.memref_squeeze %dma_start3A_16 : memref<1x80x128xi32, #tpu.memory_space<hbm>> -> memref<80x128xi32, #tpu.memory_space<hbm>>
      %dma_start3A_18 = arith.constant 0 : i32
      %dma_start3A_19 = arith.constant 0 : i32
      %dma_start3A_20 = tpu.memref_slice %arg4[%add3A, %dma_start3A_18, %dma_start3A_19] : memref<32x80x128xi32, #tpu.memory_space<hbm>> -> memref<1x80x128xi32, #tpu.memory_space<hbm>>
      %dma_start3A_21 = tpu.memref_squeeze %dma_start3A_20 : memref<1x80x128xi32, #tpu.memory_space<hbm>> -> memref<80x128xi32, #tpu.memory_space<hbm>>
      tpu.enqueue_dma source(%dma_start3A_21 : memref<80x128xi32, #tpu.memory_space<hbm>>) target(%arg8 : memref<80x128xi32, #tpu.memory_space<vmem>>) target_semaphore(%run_scoped3A : memref<!tpu.dma_semaphore, #tpu.memory_space<semaphore_mem>>)
      %dma_wait3A = arith.constant 0 : i32
      %dma_wait3A_22 = arith.constant 0 : i32
      %dma_wait3A_23 = tpu.memref_slice %arg4[%add3A, %dma_wait3A, %dma_wait3A_22] : memref<32x80x128xi32, #tpu.memory_space<hbm>> -> memref<1x80x128xi32, #tpu.memory_space<hbm>>
      %dma_wait3A_24 = tpu.memref_squeeze %dma_wait3A_23 : memref<1x80x128xi32, #tpu.memory_space<hbm>> -> memref<80x128xi32, #tpu.memory_space<hbm>>
      %dma_wait3A_25 = arith.constant 0 : i32
      %dma_wait3A_26 = arith.constant 0 : i32
      %dma_wait3A_27 = tpu.memref_slice %arg4[%add3A, %dma_wait3A_25, %dma_wait3A_26] : memref<32x80x128xi32, #tpu.memory_space<hbm>> -> memref<1x80x128xi32, #tpu.memory_space<hbm>>
      %dma_wait3A_28 = tpu.memref_squeeze %dma_wait3A_27 : memref<1x80x128xi32, #tpu.memory_space<hbm>> -> memref<80x128xi32, #tpu.memory_space<hbm>>
      tpu.wait_dma2 semaphore(%run_scoped3A : memref<!tpu.dma_semaphore, #tpu.memory_space<semaphore_mem>>) src(%dma_wait3A_28 : memref<80x128xi32, #tpu.memory_space<hbm>>) dst(%arg8 : memref<80x128xi32, #tpu.memory_space<vmem>>)
      tpu.yield
    }) : () -> ()
    %barrier3A = arith.constant 0 : index
    tpu.barrier barrier_id(%barrier3A)
    %scan3A = arith.constant 0 : i32
    %scan3A_5 = arith.constant 0 : i32
    %scan3A_6 = arith.constant 80 : i32
    %scan3A_7 = arith.addi %scan3A_5, %scan3A_6 : i32
    %scan3A_8 = arith.constant 1 : i32
    scf.for %scan3A_15 = %scan3A_5 to %scan3A_7 step %scan3A_8  : i32 {
      %dma_start3A = arith.constant 0 : i32
      %dma_start3A_16 = tpu.memref_slice %arg7[%scan3A_15, %dma_start3A] : memref<80x128xi32, #tpu.memory_space<vmem>> -> memref<1x128xi32, #tpu.memory_space<vmem>>
      %dma_start3A_17 = tpu.memref_squeeze %dma_start3A_16 : memref<1x128xi32, #tpu.memory_space<vmem>> -> memref<128xi32, #tpu.memory_space<vmem>>
      %dma_start3A_18 = arith.constant 0 : i32
      %dma_start3A_19 = arith.constant 0 : i32
      %dma_start3A_20 = tpu.memref_slice %arg2[%dma_start3A_18, %dma_start3A_19] : memref<10000x32xf32, #tpu.memory_space<hbm>> -> memref<10000x32xf32, #tpu.memory_space<hbm>>
      tpu.enqueue_indirect_dma source(%dma_start3A_20 : memref<10000x32xf32, #tpu.memory_space<hbm>>) target(%arg9 : memref<128x32xf32, #tpu.memory_space<vmem>>) offsets(%dma_start3A_17 : memref<128xi32, #tpu.memory_space<vmem>>) semaphore(%arg11 : memref<!tpu.dma_semaphore, #tpu.memory_space<semaphore_mem>>)
      %dma_wait3A = arith.constant 0 : i32
      %dma_wait3A_21 = tpu.memref_slice %arg7[%scan3A_15, %dma_wait3A] : memref<80x128xi32, #tpu.memory_space<vmem>> -> memref<1x128xi32, #tpu.memory_space<vmem>>
      %dma_wait3A_22 = tpu.memref_squeeze %dma_wait3A_21 : memref<1x128xi32, #tpu.memory_space<vmem>> -> memref<128xi32, #tpu.memory_space<vmem>>
      %dma_wait3A_23 = arith.constant 0 : i32
      %dma_wait3A_24 = arith.constant 0 : i32
      %dma_wait3A_25 = tpu.memref_slice %arg2[%dma_wait3A_23, %dma_wait3A_24] : memref<10000x32xf32, #tpu.memory_space<hbm>> -> memref<10000x32xf32, #tpu.memory_space<hbm>>
      tpu.wait_indirect_dma semaphore(%arg11 : memref<!tpu.dma_semaphore, #tpu.memory_space<semaphore_mem>>) src(%dma_wait3A_25 : memref<10000x32xf32, #tpu.memory_space<hbm>>) dst(%arg9 : memref<128x32xf32, #tpu.memory_space<vmem>>)
      "tpu.region"() ({
        %run_scoped3A = tpu.sem_alloc : memref<!tpu.dma_semaphore, #tpu.memory_space<semaphore_mem>>
        %dma_start3A_26 = arith.constant 0 : i32
        %dma_start3A_27 = tpu.memref_slice %arg8[%scan3A_15, %dma_start3A_26] : memref<80x128xi32, #tpu.memory_space<vmem>> -> memref<1x128xi32, #tpu.memory_space<vmem>>
        %dma_start3A_28 = tpu.memref_squeeze %dma_start3A_27 : memref<1x128xi32, #tpu.memory_space<vmem>> -> memref<128xi32, #tpu.memory_space<vmem>>
        %dma_start3A_29 = arith.constant 0 : i32
        %dma_start3A_30 = arith.constant 0 : i32
        %dma_start3A_31 = tpu.memref_slice %arg10[%dma_start3A_29, %dma_start3A_30] : memref<10240x32xf32, #tpu.memory_space<vmem_shared>> -> memref<10240x32xf32, #tpu.memory_space<vmem_shared>>
        tpu.enqueue_indirect_dma source(%arg9 : memref<128x32xf32, #tpu.memory_space<vmem>>) target(%dma_start3A_31 : memref<10240x32xf32, #tpu.memory_space<vmem_shared>>) offsets(%dma_start3A_28 : memref<128xi32, #tpu.memory_space<vmem>>) semaphore(%run_scoped3A : memref<!tpu.dma_semaphore, #tpu.memory_space<semaphore_mem>>) {add = true}
        %dma_wait3A_32 = arith.constant 0 : i32
        %dma_wait3A_33 = tpu.memref_slice %arg8[%scan3A_15, %dma_wait3A_32] : memref<80x128xi32, #tpu.memory_space<vmem>> -> memref<1x128xi32, #tpu.memory_space<vmem>>
        %dma_wait3A_34 = tpu.memref_squeeze %dma_wait3A_33 : memref<1x128xi32, #tpu.memory_space<vmem>> -> memref<128xi32, #tpu.memory_space<vmem>>
        %dma_wait3A_35 = arith.constant 0 : i32
        %dma_wait3A_36 = arith.constant 0 : i32
        %dma_wait3A_37 = tpu.memref_slice %arg10[%dma_wait3A_35, %dma_wait3A_36] : memref<10240x32xf32, #tpu.memory_space<vmem_shared>> -> memref<10240x32xf32, #tpu.memory_space<vmem_shared>>
        tpu.wait_indirect_dma semaphore(%run_scoped3A : memref<!tpu.dma_semaphore, #tpu.memory_space<semaphore_mem>>) src(%arg9 : memref<128x32xf32, #tpu.memory_space<vmem>>) dst(%dma_wait3A_37 : memref<10240x32xf32, #tpu.memory_space<vmem_shared>>)
        tpu.yield
      }) : () -> ()
    }
    %scan3A_9 = arith.constant 80 : i32
    %barrier3A_10 = arith.constant 0 : index
    tpu.barrier barrier_id(%barrier3A_10)
    %mul3A_11 = arith.constant 640 : i32
    %mul3A_12 = arith.muli %arg1, %mul3A_11 : i32
    %mul3A_13 = arith.constant 640 : i32
    %mul3A_14 = arith.muli %arg1, %mul3A_13 : i32
    "tpu.region"() ({
      %run_scoped3A = tpu.sem_alloc : memref<!tpu.dma_semaphore, #tpu.memory_space<semaphore_mem>>
      %dma_start3A = arith.constant 0 : i32
      %dma_start3A_15 = tpu.memref_slice %arg6[%arg0, %mul3A_14, %dma_start3A] : memref<2x10240x32xf32, #tpu.memory_space<hbm>> -> memref<1x640x32xf32, #tpu.memory_space<hbm>>
      %dma_start3A_16 = tpu.memref_squeeze %dma_start3A_15 : memref<1x640x32xf32, #tpu.memory_space<hbm>> -> memref<640x32xf32, #tpu.memory_space<hbm>>
      %dma_start3A_17 = arith.constant 0 : i32
      %dma_start3A_18 = tpu.memref_slice %arg10[%mul3A_12, %dma_start3A_17] : memref<10240x32xf32, #tpu.memory_space<vmem_shared>> -> memref<640x32xf32, #tpu.memory_space<vmem_shared>>
      tpu.enqueue_dma source(%dma_start3A_18 : memref<640x32xf32, #tpu.memory_space<vmem_shared>>) target(%dma_start3A_16 : memref<640x32xf32, #tpu.memory_space<hbm>>) target_semaphore(%run_scoped3A : memref<!tpu.dma_semaphore, #tpu.memory_space<semaphore_mem>>)
      %dma_wait3A = arith.constant 0 : i32
      %dma_wait3A_19 = tpu.memref_slice %arg6[%arg0, %mul3A_14, %dma_wait3A] : memref<2x10240x32xf32, #tpu.memory_space<hbm>> -> memref<1x640x32xf32, #tpu.memory_space<hbm>>
      %dma_wait3A_20 = tpu.memref_squeeze %dma_wait3A_19 : memref<1x640x32xf32, #tpu.memory_space<hbm>> -> memref<640x32xf32, #tpu.memory_space<hbm>>
      %dma_wait3A_21 = arith.constant 0 : i32
      %dma_wait3A_22 = tpu.memref_slice %arg10[%mul3A_12, %dma_wait3A_21] : memref<10240x32xf32, #tpu.memory_space<vmem_shared>> -> memref<640x32xf32, #tpu.memory_space<vmem_shared>>
      tpu.wait_dma2 semaphore(%run_scoped3A : memref<!tpu.dma_semaphore, #tpu.memory_space<semaphore_mem>>) src(%dma_wait3A_22 : memref<640x32xf32, #tpu.memory_space<vmem_shared>>) dst(%dma_wait3A_20 : memref<640x32xf32, #tpu.memory_space<hbm>>)
      tpu.yield
    }) : () -> ()
    return
  }
}

#map = affine_map<(d0, d1) -> (0, 0)>
#map1 = affine_map<(d0, d1) -> (0, 0, 0)>
module attributes {stable_mosaic.version = 14 : i64} {
  func.func @agg(%arg0: i32, %arg1: i32, %arg2: memref<10000x16xf32, #tpu.memory_space<hbm>>, %arg3: memref<32x80x128xi32, #tpu.memory_space<hbm>>, %arg4: memref<32x80x128xi32, #tpu.memory_space<hbm>>, %arg5: memref<10240x16xf32, #tpu.memory_space<hbm>>, %arg6: memref<2x10240x16xf32, #tpu.memory_space<hbm>>, %arg7: memref<80x128xi32, #tpu.memory_space<vmem>>, %arg8: memref<80x128xi32, #tpu.memory_space<vmem>>, %arg9: memref<128x16xf32, #tpu.memory_space<vmem>>, %arg10: memref<10240x16xf32, #tpu.memory_space<vmem_shared>>, %arg11: memref<!tpu.dma_semaphore, #tpu.memory_space<semaphore_mem>>) attributes {dimension_semantics = [#tpu.dimension_semantics<core_parallel>, #tpu.dimension_semantics<subcore_parallel>], iteration_bounds = array<i64: 2, 16>, scalar_prefetch = 0 : i64, scratch_operands = 5 : i64, tpu.core_type = #tpu.core_type<sc_vector_subcore>, window_params = [{transform_indices = #map}, {transform_indices = #map1}, {transform_indices = #map1}, {transform_indices = #map}, {transform_indices = #map1}]} {
    %mul3A = arith.constant 2 : i32
    %mul3A_0 = arith.muli %arg1, %mul3A : i32
    %add3A = arith.addi %mul3A_0, %arg0 : i32
    %mul3A_1 = arith.constant 640 : i32
    %mul3A_2 = arith.muli %arg1, %mul3A_1 : i32
    %mul3A_3 = arith.constant 640 : i32
    %mul3A_4 = arith.muli %arg1, %mul3A_3 : i32
    "tpu.region"() ({
      %run_scoped3A = tpu.sem_alloc : memref<!tpu.dma_semaphore, #tpu.memory_space<semaphore_mem>>
      %dma_start3A = arith.constant 0 : i32
      %dma_start3A_15 = tpu.memref_slice %arg10[%mul3A_4, %dma_start3A] : memref<10240x16xf32, #tpu.memory_space<vmem_shared>> -> memref<640x16xf32, #tpu.memory_space<vmem_shared>>
      %dma_start3A_16 = arith.constant 0 : i32
      %dma_start3A_17 = tpu.memref_slice %arg5[%mul3A_2, %dma_start3A_16] : memref<10240x16xf32, #tpu.memory_space<hbm>> -> memref<640x16xf32, #tpu.memory_space<hbm>>
      tpu.enqueue_dma source(%dma_start3A_17 : memref<640x16xf32, #tpu.memory_space<hbm>>) target(%dma_start3A_15 : memref<640x16xf32, #tpu.memory_space<vmem_shared>>) target_semaphore(%run_scoped3A : memref<!tpu.dma_semaphore, #tpu.memory_space<semaphore_mem>>)
      %dma_wait3A = arith.constant 0 : i32
      %dma_wait3A_18 = tpu.memref_slice %arg10[%mul3A_4, %dma_wait3A] : memref<10240x16xf32, #tpu.memory_space<vmem_shared>> -> memref<640x16xf32, #tpu.memory_space<vmem_shared>>
      %dma_wait3A_19 = arith.constant 0 : i32
      %dma_wait3A_20 = tpu.memref_slice %arg5[%mul3A_2, %dma_wait3A_19] : memref<10240x16xf32, #tpu.memory_space<hbm>> -> memref<640x16xf32, #tpu.memory_space<hbm>>
      tpu.wait_dma2 semaphore(%run_scoped3A : memref<!tpu.dma_semaphore, #tpu.memory_space<semaphore_mem>>) src(%dma_wait3A_20 : memref<640x16xf32, #tpu.memory_space<hbm>>) dst(%dma_wait3A_18 : memref<640x16xf32, #tpu.memory_space<vmem_shared>>)
      tpu.yield
    }) : () -> ()
    "tpu.region"() ({
      %run_scoped3A = tpu.sem_alloc : memref<!tpu.dma_semaphore, #tpu.memory_space<semaphore_mem>>
      %dma_start3A = arith.constant 0 : i32
      %dma_start3A_15 = arith.constant 0 : i32
      %dma_start3A_16 = tpu.memref_slice %arg3[%add3A, %dma_start3A, %dma_start3A_15] : memref<32x80x128xi32, #tpu.memory_space<hbm>> -> memref<1x80x128xi32, #tpu.memory_space<hbm>>
      %dma_start3A_17 = tpu.memref_squeeze %dma_start3A_16 : memref<1x80x128xi32, #tpu.memory_space<hbm>> -> memref<80x128xi32, #tpu.memory_space<hbm>>
      %dma_start3A_18 = arith.constant 0 : i32
      %dma_start3A_19 = arith.constant 0 : i32
      %dma_start3A_20 = tpu.memref_slice %arg3[%add3A, %dma_start3A_18, %dma_start3A_19] : memref<32x80x128xi32, #tpu.memory_space<hbm>> -> memref<1x80x128xi32, #tpu.memory_space<hbm>>
      %dma_start3A_21 = tpu.memref_squeeze %dma_start3A_20 : memref<1x80x128xi32, #tpu.memory_space<hbm>> -> memref<80x128xi32, #tpu.memory_space<hbm>>
      tpu.enqueue_dma source(%dma_start3A_21 : memref<80x128xi32, #tpu.memory_space<hbm>>) target(%arg7 : memref<80x128xi32, #tpu.memory_space<vmem>>) target_semaphore(%run_scoped3A : memref<!tpu.dma_semaphore, #tpu.memory_space<semaphore_mem>>)
      %dma_wait3A = arith.constant 0 : i32
      %dma_wait3A_22 = arith.constant 0 : i32
      %dma_wait3A_23 = tpu.memref_slice %arg3[%add3A, %dma_wait3A, %dma_wait3A_22] : memref<32x80x128xi32, #tpu.memory_space<hbm>> -> memref<1x80x128xi32, #tpu.memory_space<hbm>>
      %dma_wait3A_24 = tpu.memref_squeeze %dma_wait3A_23 : memref<1x80x128xi32, #tpu.memory_space<hbm>> -> memref<80x128xi32, #tpu.memory_space<hbm>>
      %dma_wait3A_25 = arith.constant 0 : i32
      %dma_wait3A_26 = arith.constant 0 : i32
      %dma_wait3A_27 = tpu.memref_slice %arg3[%add3A, %dma_wait3A_25, %dma_wait3A_26] : memref<32x80x128xi32, #tpu.memory_space<hbm>> -> memref<1x80x128xi32, #tpu.memory_space<hbm>>
      %dma_wait3A_28 = tpu.memref_squeeze %dma_wait3A_27 : memref<1x80x128xi32, #tpu.memory_space<hbm>> -> memref<80x128xi32, #tpu.memory_space<hbm>>
      tpu.wait_dma2 semaphore(%run_scoped3A : memref<!tpu.dma_semaphore, #tpu.memory_space<semaphore_mem>>) src(%dma_wait3A_28 : memref<80x128xi32, #tpu.memory_space<hbm>>) dst(%arg7 : memref<80x128xi32, #tpu.memory_space<vmem>>)
      tpu.yield
    }) : () -> ()
    "tpu.region"() ({
      %run_scoped3A = tpu.sem_alloc : memref<!tpu.dma_semaphore, #tpu.memory_space<semaphore_mem>>
      %dma_start3A = arith.constant 0 : i32
      %dma_start3A_15 = arith.constant 0 : i32
      %dma_start3A_16 = tpu.memref_slice %arg4[%add3A, %dma_start3A, %dma_start3A_15] : memref<32x80x128xi32, #tpu.memory_space<hbm>> -> memref<1x80x128xi32, #tpu.memory_space<hbm>>
      %dma_start3A_17 = tpu.memref_squeeze %dma_start3A_16 : memref<1x80x128xi32, #tpu.memory_space<hbm>> -> memref<80x128xi32, #tpu.memory_space<hbm>>
      %dma_start3A_18 = arith.constant 0 : i32
      %dma_start3A_19 = arith.constant 0 : i32
      %dma_start3A_20 = tpu.memref_slice %arg4[%add3A, %dma_start3A_18, %dma_start3A_19] : memref<32x80x128xi32, #tpu.memory_space<hbm>> -> memref<1x80x128xi32, #tpu.memory_space<hbm>>
      %dma_start3A_21 = tpu.memref_squeeze %dma_start3A_20 : memref<1x80x128xi32, #tpu.memory_space<hbm>> -> memref<80x128xi32, #tpu.memory_space<hbm>>
      tpu.enqueue_dma source(%dma_start3A_21 : memref<80x128xi32, #tpu.memory_space<hbm>>) target(%arg8 : memref<80x128xi32, #tpu.memory_space<vmem>>) target_semaphore(%run_scoped3A : memref<!tpu.dma_semaphore, #tpu.memory_space<semaphore_mem>>)
      %dma_wait3A = arith.constant 0 : i32
      %dma_wait3A_22 = arith.constant 0 : i32
      %dma_wait3A_23 = tpu.memref_slice %arg4[%add3A, %dma_wait3A, %dma_wait3A_22] : memref<32x80x128xi32, #tpu.memory_space<hbm>> -> memref<1x80x128xi32, #tpu.memory_space<hbm>>
      %dma_wait3A_24 = tpu.memref_squeeze %dma_wait3A_23 : memref<1x80x128xi32, #tpu.memory_space<hbm>> -> memref<80x128xi32, #tpu.memory_space<hbm>>
      %dma_wait3A_25 = arith.constant 0 : i32
      %dma_wait3A_26 = arith.constant 0 : i32
      %dma_wait3A_27 = tpu.memref_slice %arg4[%add3A, %dma_wait3A_25, %dma_wait3A_26] : memref<32x80x128xi32, #tpu.memory_space<hbm>> -> memref<1x80x128xi32, #tpu.memory_space<hbm>>
      %dma_wait3A_28 = tpu.memref_squeeze %dma_wait3A_27 : memref<1x80x128xi32, #tpu.memory_space<hbm>> -> memref<80x128xi32, #tpu.memory_space<hbm>>
      tpu.wait_dma2 semaphore(%run_scoped3A : memref<!tpu.dma_semaphore, #tpu.memory_space<semaphore_mem>>) src(%dma_wait3A_28 : memref<80x128xi32, #tpu.memory_space<hbm>>) dst(%arg8 : memref<80x128xi32, #tpu.memory_space<vmem>>)
      tpu.yield
    }) : () -> ()
    %barrier3A = arith.constant 0 : index
    tpu.barrier barrier_id(%barrier3A)
    %scan3A = arith.constant 0 : i32
    %scan3A_5 = arith.constant 0 : i32
    %scan3A_6 = arith.constant 80 : i32
    %scan3A_7 = arith.addi %scan3A_5, %scan3A_6 : i32
    %scan3A_8 = arith.constant 1 : i32
    scf.for %scan3A_15 = %scan3A_5 to %scan3A_7 step %scan3A_8  : i32 {
      %dma_start3A = arith.constant 0 : i32
      %dma_start3A_16 = tpu.memref_slice %arg7[%scan3A_15, %dma_start3A] : memref<80x128xi32, #tpu.memory_space<vmem>> -> memref<1x128xi32, #tpu.memory_space<vmem>>
      %dma_start3A_17 = tpu.memref_squeeze %dma_start3A_16 : memref<1x128xi32, #tpu.memory_space<vmem>> -> memref<128xi32, #tpu.memory_space<vmem>>
      %dma_start3A_18 = arith.constant 0 : i32
      %dma_start3A_19 = arith.constant 0 : i32
      %dma_start3A_20 = tpu.memref_slice %arg2[%dma_start3A_18, %dma_start3A_19] : memref<10000x16xf32, #tpu.memory_space<hbm>> -> memref<10000x16xf32, #tpu.memory_space<hbm>>
      tpu.enqueue_indirect_dma source(%dma_start3A_20 : memref<10000x16xf32, #tpu.memory_space<hbm>>) target(%arg9 : memref<128x16xf32, #tpu.memory_space<vmem>>) offsets(%dma_start3A_17 : memref<128xi32, #tpu.memory_space<vmem>>) semaphore(%arg11 : memref<!tpu.dma_semaphore, #tpu.memory_space<semaphore_mem>>)
      %dma_wait3A = arith.constant 0 : i32
      %dma_wait3A_21 = tpu.memref_slice %arg7[%scan3A_15, %dma_wait3A] : memref<80x128xi32, #tpu.memory_space<vmem>> -> memref<1x128xi32, #tpu.memory_space<vmem>>
      %dma_wait3A_22 = tpu.memref_squeeze %dma_wait3A_21 : memref<1x128xi32, #tpu.memory_space<vmem>> -> memref<128xi32, #tpu.memory_space<vmem>>
      %dma_wait3A_23 = arith.constant 0 : i32
      %dma_wait3A_24 = arith.constant 0 : i32
      %dma_wait3A_25 = tpu.memref_slice %arg2[%dma_wait3A_23, %dma_wait3A_24] : memref<10000x16xf32, #tpu.memory_space<hbm>> -> memref<10000x16xf32, #tpu.memory_space<hbm>>
      tpu.wait_indirect_dma semaphore(%arg11 : memref<!tpu.dma_semaphore, #tpu.memory_space<semaphore_mem>>) src(%dma_wait3A_25 : memref<10000x16xf32, #tpu.memory_space<hbm>>) dst(%arg9 : memref<128x16xf32, #tpu.memory_space<vmem>>)
      "tpu.region"() ({
        %run_scoped3A = tpu.sem_alloc : memref<!tpu.dma_semaphore, #tpu.memory_space<semaphore_mem>>
        %dma_start3A_26 = arith.constant 0 : i32
        %dma_start3A_27 = tpu.memref_slice %arg8[%scan3A_15, %dma_start3A_26] : memref<80x128xi32, #tpu.memory_space<vmem>> -> memref<1x128xi32, #tpu.memory_space<vmem>>
        %dma_start3A_28 = tpu.memref_squeeze %dma_start3A_27 : memref<1x128xi32, #tpu.memory_space<vmem>> -> memref<128xi32, #tpu.memory_space<vmem>>
        %dma_start3A_29 = arith.constant 0 : i32
        %dma_start3A_30 = arith.constant 0 : i32
        %dma_start3A_31 = tpu.memref_slice %arg10[%dma_start3A_29, %dma_start3A_30] : memref<10240x16xf32, #tpu.memory_space<vmem_shared>> -> memref<10240x16xf32, #tpu.memory_space<vmem_shared>>
        tpu.enqueue_indirect_dma source(%arg9 : memref<128x16xf32, #tpu.memory_space<vmem>>) target(%dma_start3A_31 : memref<10240x16xf32, #tpu.memory_space<vmem_shared>>) offsets(%dma_start3A_28 : memref<128xi32, #tpu.memory_space<vmem>>) semaphore(%run_scoped3A : memref<!tpu.dma_semaphore, #tpu.memory_space<semaphore_mem>>) {add = true}
        %dma_wait3A_32 = arith.constant 0 : i32
        %dma_wait3A_33 = tpu.memref_slice %arg8[%scan3A_15, %dma_wait3A_32] : memref<80x128xi32, #tpu.memory_space<vmem>> -> memref<1x128xi32, #tpu.memory_space<vmem>>
        %dma_wait3A_34 = tpu.memref_squeeze %dma_wait3A_33 : memref<1x128xi32, #tpu.memory_space<vmem>> -> memref<128xi32, #tpu.memory_space<vmem>>
        %dma_wait3A_35 = arith.constant 0 : i32
        %dma_wait3A_36 = arith.constant 0 : i32
        %dma_wait3A_37 = tpu.memref_slice %arg10[%dma_wait3A_35, %dma_wait3A_36] : memref<10240x16xf32, #tpu.memory_space<vmem_shared>> -> memref<10240x16xf32, #tpu.memory_space<vmem_shared>>
        tpu.wait_indirect_dma semaphore(%run_scoped3A : memref<!tpu.dma_semaphore, #tpu.memory_space<semaphore_mem>>) src(%arg9 : memref<128x16xf32, #tpu.memory_space<vmem>>) dst(%dma_wait3A_37 : memref<10240x16xf32, #tpu.memory_space<vmem_shared>>)
        tpu.yield
      }) : () -> ()
    }
    %scan3A_9 = arith.constant 80 : i32
    %barrier3A_10 = arith.constant 0 : index
    tpu.barrier barrier_id(%barrier3A_10)
    %mul3A_11 = arith.constant 640 : i32
    %mul3A_12 = arith.muli %arg1, %mul3A_11 : i32
    %mul3A_13 = arith.constant 640 : i32
    %mul3A_14 = arith.muli %arg1, %mul3A_13 : i32
    "tpu.region"() ({
      %run_scoped3A = tpu.sem_alloc : memref<!tpu.dma_semaphore, #tpu.memory_space<semaphore_mem>>
      %dma_start3A = arith.constant 0 : i32
      %dma_start3A_15 = tpu.memref_slice %arg6[%arg0, %mul3A_14, %dma_start3A] : memref<2x10240x16xf32, #tpu.memory_space<hbm>> -> memref<1x640x16xf32, #tpu.memory_space<hbm>>
      %dma_start3A_16 = tpu.memref_squeeze %dma_start3A_15 : memref<1x640x16xf32, #tpu.memory_space<hbm>> -> memref<640x16xf32, #tpu.memory_space<hbm>>
      %dma_start3A_17 = arith.constant 0 : i32
      %dma_start3A_18 = tpu.memref_slice %arg10[%mul3A_12, %dma_start3A_17] : memref<10240x16xf32, #tpu.memory_space<vmem_shared>> -> memref<640x16xf32, #tpu.memory_space<vmem_shared>>
      tpu.enqueue_dma source(%dma_start3A_18 : memref<640x16xf32, #tpu.memory_space<vmem_shared>>) target(%dma_start3A_16 : memref<640x16xf32, #tpu.memory_space<hbm>>) target_semaphore(%run_scoped3A : memref<!tpu.dma_semaphore, #tpu.memory_space<semaphore_mem>>)
      %dma_wait3A = arith.constant 0 : i32
      %dma_wait3A_19 = tpu.memref_slice %arg6[%arg0, %mul3A_14, %dma_wait3A] : memref<2x10240x16xf32, #tpu.memory_space<hbm>> -> memref<1x640x16xf32, #tpu.memory_space<hbm>>
      %dma_wait3A_20 = tpu.memref_squeeze %dma_wait3A_19 : memref<1x640x16xf32, #tpu.memory_space<hbm>> -> memref<640x16xf32, #tpu.memory_space<hbm>>
      %dma_wait3A_21 = arith.constant 0 : i32
      %dma_wait3A_22 = tpu.memref_slice %arg10[%mul3A_12, %dma_wait3A_21] : memref<10240x16xf32, #tpu.memory_space<vmem_shared>> -> memref<640x16xf32, #tpu.memory_space<vmem_shared>>
      tpu.wait_dma2 semaphore(%run_scoped3A : memref<!tpu.dma_semaphore, #tpu.memory_space<semaphore_mem>>) src(%dma_wait3A_22 : memref<640x16xf32, #tpu.memory_space<vmem_shared>>) dst(%dma_wait3A_20 : memref<640x16xf32, #tpu.memory_space<hbm>>)
      tpu.yield
    }) : () -> ()
    return
  }
}

#map = affine_map<(d0, d1) -> (0, 0)>
#map1 = affine_map<(d0, d1) -> (0, 0, 0)>
module attributes {stable_mosaic.version = 14 : i64} {
  func.func @agg(%arg0: i32, %arg1: i32, %arg2: memref<10000x32xf32, #tpu.memory_space<hbm>>, %arg3: memref<32x80x128xi32, #tpu.memory_space<hbm>>, %arg4: memref<32x80x128xi32, #tpu.memory_space<hbm>>, %arg5: memref<10240x32xf32, #tpu.memory_space<hbm>>, %arg6: memref<2x10240x32xf32, #tpu.memory_space<hbm>>, %arg7: memref<80x128xi32, #tpu.memory_space<vmem>>, %arg8: memref<80x128xi32, #tpu.memory_space<vmem>>, %arg9: memref<128x32xf32, #tpu.memory_space<vmem>>, %arg10: memref<10240x32xf32, #tpu.memory_space<vmem_shared>>, %arg11: memref<!tpu.dma_semaphore, #tpu.memory_space<semaphore_mem>>) attributes {dimension_semantics = [#tpu.dimension_semantics<core_parallel>, #tpu.dimension_semantics<subcore_parallel>], iteration_bounds = array<i64: 2, 16>, scalar_prefetch = 0 : i64, scratch_operands = 5 : i64, tpu.core_type = #tpu.core_type<sc_vector_subcore>, window_params = [{transform_indices = #map}, {transform_indices = #map1}, {transform_indices = #map1}, {transform_indices = #map}, {transform_indices = #map1}]} {
    %mul3A = arith.constant 2 : i32
    %mul3A_0 = arith.muli %arg1, %mul3A : i32
    %add3A = arith.addi %mul3A_0, %arg0 : i32
    %mul3A_1 = arith.constant 640 : i32
    %mul3A_2 = arith.muli %arg1, %mul3A_1 : i32
    %mul3A_3 = arith.constant 640 : i32
    %mul3A_4 = arith.muli %arg1, %mul3A_3 : i32
    "tpu.region"() ({
      %run_scoped3A = tpu.sem_alloc : memref<!tpu.dma_semaphore, #tpu.memory_space<semaphore_mem>>
      %dma_start3A = arith.constant 0 : i32
      %dma_start3A_15 = tpu.memref_slice %arg10[%mul3A_4, %dma_start3A] : memref<10240x32xf32, #tpu.memory_space<vmem_shared>> -> memref<640x32xf32, #tpu.memory_space<vmem_shared>>
      %dma_start3A_16 = arith.constant 0 : i32
      %dma_start3A_17 = tpu.memref_slice %arg5[%mul3A_2, %dma_start3A_16] : memref<10240x32xf32, #tpu.memory_space<hbm>> -> memref<640x32xf32, #tpu.memory_space<hbm>>
      tpu.enqueue_dma source(%dma_start3A_17 : memref<640x32xf32, #tpu.memory_space<hbm>>) target(%dma_start3A_15 : memref<640x32xf32, #tpu.memory_space<vmem_shared>>) target_semaphore(%run_scoped3A : memref<!tpu.dma_semaphore, #tpu.memory_space<semaphore_mem>>)
      %dma_wait3A = arith.constant 0 : i32
      %dma_wait3A_18 = tpu.memref_slice %arg10[%mul3A_4, %dma_wait3A] : memref<10240x32xf32, #tpu.memory_space<vmem_shared>> -> memref<640x32xf32, #tpu.memory_space<vmem_shared>>
      %dma_wait3A_19 = arith.constant 0 : i32
      %dma_wait3A_20 = tpu.memref_slice %arg5[%mul3A_2, %dma_wait3A_19] : memref<10240x32xf32, #tpu.memory_space<hbm>> -> memref<640x32xf32, #tpu.memory_space<hbm>>
      tpu.wait_dma2 semaphore(%run_scoped3A : memref<!tpu.dma_semaphore, #tpu.memory_space<semaphore_mem>>) src(%dma_wait3A_20 : memref<640x32xf32, #tpu.memory_space<hbm>>) dst(%dma_wait3A_18 : memref<640x32xf32, #tpu.memory_space<vmem_shared>>)
      tpu.yield
    }) : () -> ()
    "tpu.region"() ({
      %run_scoped3A = tpu.sem_alloc : memref<!tpu.dma_semaphore, #tpu.memory_space<semaphore_mem>>
      %dma_start3A = arith.constant 0 : i32
      %dma_start3A_15 = arith.constant 0 : i32
      %dma_start3A_16 = tpu.memref_slice %arg3[%add3A, %dma_start3A, %dma_start3A_15] : memref<32x80x128xi32, #tpu.memory_space<hbm>> -> memref<1x80x128xi32, #tpu.memory_space<hbm>>
      %dma_start3A_17 = tpu.memref_squeeze %dma_start3A_16 : memref<1x80x128xi32, #tpu.memory_space<hbm>> -> memref<80x128xi32, #tpu.memory_space<hbm>>
      %dma_start3A_18 = arith.constant 0 : i32
      %dma_start3A_19 = arith.constant 0 : i32
      %dma_start3A_20 = tpu.memref_slice %arg3[%add3A, %dma_start3A_18, %dma_start3A_19] : memref<32x80x128xi32, #tpu.memory_space<hbm>> -> memref<1x80x128xi32, #tpu.memory_space<hbm>>
      %dma_start3A_21 = tpu.memref_squeeze %dma_start3A_20 : memref<1x80x128xi32, #tpu.memory_space<hbm>> -> memref<80x128xi32, #tpu.memory_space<hbm>>
      tpu.enqueue_dma source(%dma_start3A_21 : memref<80x128xi32, #tpu.memory_space<hbm>>) target(%arg7 : memref<80x128xi32, #tpu.memory_space<vmem>>) target_semaphore(%run_scoped3A : memref<!tpu.dma_semaphore, #tpu.memory_space<semaphore_mem>>)
      %dma_wait3A = arith.constant 0 : i32
      %dma_wait3A_22 = arith.constant 0 : i32
      %dma_wait3A_23 = tpu.memref_slice %arg3[%add3A, %dma_wait3A, %dma_wait3A_22] : memref<32x80x128xi32, #tpu.memory_space<hbm>> -> memref<1x80x128xi32, #tpu.memory_space<hbm>>
      %dma_wait3A_24 = tpu.memref_squeeze %dma_wait3A_23 : memref<1x80x128xi32, #tpu.memory_space<hbm>> -> memref<80x128xi32, #tpu.memory_space<hbm>>
      %dma_wait3A_25 = arith.constant 0 : i32
      %dma_wait3A_26 = arith.constant 0 : i32
      %dma_wait3A_27 = tpu.memref_slice %arg3[%add3A, %dma_wait3A_25, %dma_wait3A_26] : memref<32x80x128xi32, #tpu.memory_space<hbm>> -> memref<1x80x128xi32, #tpu.memory_space<hbm>>
      %dma_wait3A_28 = tpu.memref_squeeze %dma_wait3A_27 : memref<1x80x128xi32, #tpu.memory_space<hbm>> -> memref<80x128xi32, #tpu.memory_space<hbm>>
      tpu.wait_dma2 semaphore(%run_scoped3A : memref<!tpu.dma_semaphore, #tpu.memory_space<semaphore_mem>>) src(%dma_wait3A_28 : memref<80x128xi32, #tpu.memory_space<hbm>>) dst(%arg7 : memref<80x128xi32, #tpu.memory_space<vmem>>)
      tpu.yield
    }) : () -> ()
    "tpu.region"() ({
      %run_scoped3A = tpu.sem_alloc : memref<!tpu.dma_semaphore, #tpu.memory_space<semaphore_mem>>
      %dma_start3A = arith.constant 0 : i32
      %dma_start3A_15 = arith.constant 0 : i32
      %dma_start3A_16 = tpu.memref_slice %arg4[%add3A, %dma_start3A, %dma_start3A_15] : memref<32x80x128xi32, #tpu.memory_space<hbm>> -> memref<1x80x128xi32, #tpu.memory_space<hbm>>
      %dma_start3A_17 = tpu.memref_squeeze %dma_start3A_16 : memref<1x80x128xi32, #tpu.memory_space<hbm>> -> memref<80x128xi32, #tpu.memory_space<hbm>>
      %dma_start3A_18 = arith.constant 0 : i32
      %dma_start3A_19 = arith.constant 0 : i32
      %dma_start3A_20 = tpu.memref_slice %arg4[%add3A, %dma_start3A_18, %dma_start3A_19] : memref<32x80x128xi32, #tpu.memory_space<hbm>> -> memref<1x80x128xi32, #tpu.memory_space<hbm>>
      %dma_start3A_21 = tpu.memref_squeeze %dma_start3A_20 : memref<1x80x128xi32, #tpu.memory_space<hbm>> -> memref<80x128xi32, #tpu.memory_space<hbm>>
      tpu.enqueue_dma source(%dma_start3A_21 : memref<80x128xi32, #tpu.memory_space<hbm>>) target(%arg8 : memref<80x128xi32, #tpu.memory_space<vmem>>) target_semaphore(%run_scoped3A : memref<!tpu.dma_semaphore, #tpu.memory_space<semaphore_mem>>)
      %dma_wait3A = arith.constant 0 : i32
      %dma_wait3A_22 = arith.constant 0 : i32
      %dma_wait3A_23 = tpu.memref_slice %arg4[%add3A, %dma_wait3A, %dma_wait3A_22] : memref<32x80x128xi32, #tpu.memory_space<hbm>> -> memref<1x80x128xi32, #tpu.memory_space<hbm>>
      %dma_wait3A_24 = tpu.memref_squeeze %dma_wait3A_23 : memref<1x80x128xi32, #tpu.memory_space<hbm>> -> memref<80x128xi32, #tpu.memory_space<hbm>>
      %dma_wait3A_25 = arith.constant 0 : i32
      %dma_wait3A_26 = arith.constant 0 : i32
      %dma_wait3A_27 = tpu.memref_slice %arg4[%add3A, %dma_wait3A_25, %dma_wait3A_26] : memref<32x80x128xi32, #tpu.memory_space<hbm>> -> memref<1x80x128xi32, #tpu.memory_space<hbm>>
      %dma_wait3A_28 = tpu.memref_squeeze %dma_wait3A_27 : memref<1x80x128xi32, #tpu.memory_space<hbm>> -> memref<80x128xi32, #tpu.memory_space<hbm>>
      tpu.wait_dma2 semaphore(%run_scoped3A : memref<!tpu.dma_semaphore, #tpu.memory_space<semaphore_mem>>) src(%dma_wait3A_28 : memref<80x128xi32, #tpu.memory_space<hbm>>) dst(%arg8 : memref<80x128xi32, #tpu.memory_space<vmem>>)
      tpu.yield
    }) : () -> ()
    %barrier3A = arith.constant 0 : index
    tpu.barrier barrier_id(%barrier3A)
    %scan3A = arith.constant 0 : i32
    %scan3A_5 = arith.constant 0 : i32
    %scan3A_6 = arith.constant 80 : i32
    %scan3A_7 = arith.addi %scan3A_5, %scan3A_6 : i32
    %scan3A_8 = arith.constant 1 : i32
    scf.for %scan3A_15 = %scan3A_5 to %scan3A_7 step %scan3A_8  : i32 {
      %dma_start3A = arith.constant 0 : i32
      %dma_start3A_16 = tpu.memref_slice %arg7[%scan3A_15, %dma_start3A] : memref<80x128xi32, #tpu.memory_space<vmem>> -> memref<1x128xi32, #tpu.memory_space<vmem>>
      %dma_start3A_17 = tpu.memref_squeeze %dma_start3A_16 : memref<1x128xi32, #tpu.memory_space<vmem>> -> memref<128xi32, #tpu.memory_space<vmem>>
      %dma_start3A_18 = arith.constant 0 : i32
      %dma_start3A_19 = arith.constant 0 : i32
      %dma_start3A_20 = tpu.memref_slice %arg2[%dma_start3A_18, %dma_start3A_19] : memref<10000x32xf32, #tpu.memory_space<hbm>> -> memref<10000x32xf32, #tpu.memory_space<hbm>>
      tpu.enqueue_indirect_dma source(%dma_start3A_20 : memref<10000x32xf32, #tpu.memory_space<hbm>>) target(%arg9 : memref<128x32xf32, #tpu.memory_space<vmem>>) offsets(%dma_start3A_17 : memref<128xi32, #tpu.memory_space<vmem>>) semaphore(%arg11 : memref<!tpu.dma_semaphore, #tpu.memory_space<semaphore_mem>>)
      %dma_wait3A = arith.constant 0 : i32
      %dma_wait3A_21 = tpu.memref_slice %arg7[%scan3A_15, %dma_wait3A] : memref<80x128xi32, #tpu.memory_space<vmem>> -> memref<1x128xi32, #tpu.memory_space<vmem>>
      %dma_wait3A_22 = tpu.memref_squeeze %dma_wait3A_21 : memref<1x128xi32, #tpu.memory_space<vmem>> -> memref<128xi32, #tpu.memory_space<vmem>>
      %dma_wait3A_23 = arith.constant 0 : i32
      %dma_wait3A_24 = arith.constant 0 : i32
      %dma_wait3A_25 = tpu.memref_slice %arg2[%dma_wait3A_23, %dma_wait3A_24] : memref<10000x32xf32, #tpu.memory_space<hbm>> -> memref<10000x32xf32, #tpu.memory_space<hbm>>
      tpu.wait_indirect_dma semaphore(%arg11 : memref<!tpu.dma_semaphore, #tpu.memory_space<semaphore_mem>>) src(%dma_wait3A_25 : memref<10000x32xf32, #tpu.memory_space<hbm>>) dst(%arg9 : memref<128x32xf32, #tpu.memory_space<vmem>>)
      "tpu.region"() ({
        %run_scoped3A = tpu.sem_alloc : memref<!tpu.dma_semaphore, #tpu.memory_space<semaphore_mem>>
        %dma_start3A_26 = arith.constant 0 : i32
        %dma_start3A_27 = tpu.memref_slice %arg8[%scan3A_15, %dma_start3A_26] : memref<80x128xi32, #tpu.memory_space<vmem>> -> memref<1x128xi32, #tpu.memory_space<vmem>>
        %dma_start3A_28 = tpu.memref_squeeze %dma_start3A_27 : memref<1x128xi32, #tpu.memory_space<vmem>> -> memref<128xi32, #tpu.memory_space<vmem>>
        %dma_start3A_29 = arith.constant 0 : i32
        %dma_start3A_30 = arith.constant 0 : i32
        %dma_start3A_31 = tpu.memref_slice %arg10[%dma_start3A_29, %dma_start3A_30] : memref<10240x32xf32, #tpu.memory_space<vmem_shared>> -> memref<10240x32xf32, #tpu.memory_space<vmem_shared>>
        tpu.enqueue_indirect_dma source(%arg9 : memref<128x32xf32, #tpu.memory_space<vmem>>) target(%dma_start3A_31 : memref<10240x32xf32, #tpu.memory_space<vmem_shared>>) offsets(%dma_start3A_28 : memref<128xi32, #tpu.memory_space<vmem>>) semaphore(%run_scoped3A : memref<!tpu.dma_semaphore, #tpu.memory_space<semaphore_mem>>) {add = true}
        %dma_wait3A_32 = arith.constant 0 : i32
        %dma_wait3A_33 = tpu.memref_slice %arg8[%scan3A_15, %dma_wait3A_32] : memref<80x128xi32, #tpu.memory_space<vmem>> -> memref<1x128xi32, #tpu.memory_space<vmem>>
        %dma_wait3A_34 = tpu.memref_squeeze %dma_wait3A_33 : memref<1x128xi32, #tpu.memory_space<vmem>> -> memref<128xi32, #tpu.memory_space<vmem>>
        %dma_wait3A_35 = arith.constant 0 : i32
        %dma_wait3A_36 = arith.constant 0 : i32
        %dma_wait3A_37 = tpu.memref_slice %arg10[%dma_wait3A_35, %dma_wait3A_36] : memref<10240x32xf32, #tpu.memory_space<vmem_shared>> -> memref<10240x32xf32, #tpu.memory_space<vmem_shared>>
        tpu.wait_indirect_dma semaphore(%run_scoped3A : memref<!tpu.dma_semaphore, #tpu.memory_space<semaphore_mem>>) src(%arg9 : memref<128x32xf32, #tpu.memory_space<vmem>>) dst(%dma_wait3A_37 : memref<10240x32xf32, #tpu.memory_space<vmem_shared>>)
        tpu.yield
      }) : () -> ()
    }
    %scan3A_9 = arith.constant 80 : i32
    %barrier3A_10 = arith.constant 0 : index
    tpu.barrier barrier_id(%barrier3A_10)
    %mul3A_11 = arith.constant 640 : i32
    %mul3A_12 = arith.muli %arg1, %mul3A_11 : i32
    %mul3A_13 = arith.constant 640 : i32
    %mul3A_14 = arith.muli %arg1, %mul3A_13 : i32
    "tpu.region"() ({
      %run_scoped3A = tpu.sem_alloc : memref<!tpu.dma_semaphore, #tpu.memory_space<semaphore_mem>>
      %dma_start3A = arith.constant 0 : i32
      %dma_start3A_15 = tpu.memref_slice %arg6[%arg0, %mul3A_14, %dma_start3A] : memref<2x10240x32xf32, #tpu.memory_space<hbm>> -> memref<1x640x32xf32, #tpu.memory_space<hbm>>
      %dma_start3A_16 = tpu.memref_squeeze %dma_start3A_15 : memref<1x640x32xf32, #tpu.memory_space<hbm>> -> memref<640x32xf32, #tpu.memory_space<hbm>>
      %dma_start3A_17 = arith.constant 0 : i32
      %dma_start3A_18 = tpu.memref_slice %arg10[%mul3A_12, %dma_start3A_17] : memref<10240x32xf32, #tpu.memory_space<vmem_shared>> -> memref<640x32xf32, #tpu.memory_space<vmem_shared>>
      tpu.enqueue_dma source(%dma_start3A_18 : memref<640x32xf32, #tpu.memory_space<vmem_shared>>) target(%dma_start3A_16 : memref<640x32xf32, #tpu.memory_space<hbm>>) target_semaphore(%run_scoped3A : memref<!tpu.dma_semaphore, #tpu.memory_space<semaphore_mem>>)
      %dma_wait3A = arith.constant 0 : i32
      %dma_wait3A_19 = tpu.memref_slice %arg6[%arg0, %mul3A_14, %dma_wait3A] : memref<2x10240x32xf32, #tpu.memory_space<hbm>> -> memref<1x640x32xf32, #tpu.memory_space<hbm>>
      %dma_wait3A_20 = tpu.memref_squeeze %dma_wait3A_19 : memref<1x640x32xf32, #tpu.memory_space<hbm>> -> memref<640x32xf32, #tpu.memory_space<hbm>>
      %dma_wait3A_21 = arith.constant 0 : i32
      %dma_wait3A_22 = tpu.memref_slice %arg10[%mul3A_12, %dma_wait3A_21] : memref<10240x32xf32, #tpu.memory_space<vmem_shared>> -> memref<640x32xf32, #tpu.memory_space<vmem_shared>>
      tpu.wait_dma2 semaphore(%run_scoped3A : memref<!tpu.dma_semaphore, #tpu.memory_space<semaphore_mem>>) src(%dma_wait3A_22 : memref<640x32xf32, #tpu.memory_space<vmem_shared>>) dst(%dma_wait3A_20 : memref<640x32xf32, #tpu.memory_space<hbm>>)
      tpu.yield
    }) : () -> ()
    return
  }
}

module attributes {stable_mosaic.version = 14 : i64} {
  func.func @body(%arg0: i32, %arg1: memref<400x128xf32, #tpu.memory_space<vmem>>, %arg2: memref<2x400x8xf32, #tpu.memory_space<vmem>>, %arg3: memref<128x32xf32, #tpu.memory_space<vmem>>, %arg4: memref<400x32xf32, #tpu.memory_space<vmem>>) attributes {dimension_semantics = [#tpu.dimension_semantics<arbitrary>], iteration_bounds = array<i64: 25>, scalar_prefetch = 0 : i64, scratch_operands = 0 : i64, tpu.core_type = #tpu.core_type<tc>, window_params = [{transform_indices = @transform_0, window_bounds = array<i64: 400, 128>}, {transform_indices = @transform_1, window_bounds = array<i64: 2, 400, 8>}, {pipeline_mode = #tpu.pipeline_mode<synchronous>, transform_indices = @transform_2, window_bounds = array<i64: 128, 32>}, {transform_indices = @transform_3, window_bounds = array<i64: 400, 32>}]} {
    %get3A = arith.constant 0 : index
    %get3A_0 = arith.constant 0 : index
    %get3A_1 = arith.constant 0 : index
    %get3A_2 = vector.load %arg2[%get3A, %get3A_0, %get3A_1] : memref<2x400x8xf32, #tpu.memory_space<vmem>>, vector<1x400x1xf32>
    %get3A_3 = vector.shape_cast %get3A_2 : vector<1x400x1xf32> to vector<400x1xf32>
    %get3A_4 = arith.constant 1 : index
    %get3A_5 = arith.constant 0 : index
    %get3A_6 = arith.constant 0 : index
    %get3A_7 = vector.load %arg2[%get3A_4, %get3A_5, %get3A_6] : memref<2x400x8xf32, #tpu.memory_space<vmem>>, vector<1x400x1xf32>
    %get3A_8 = vector.shape_cast %get3A_7 : vector<1x400x1xf32> to vector<400x1xf32>
    %add3A = arith.addf %get3A_3, %get3A_8 : vector<400x1xf32>
    %add3A_9 = arith.constant 1.000000e+00 : f32
    %add3A_10 = vector.broadcast %add3A_9 : f32 to vector<400x1xf32>
    %add3A_11 = arith.addf %add3A, %add3A_10 : vector<400x1xf32>
    %rsqrt3A = math.rsqrt %add3A_11 : vector<400x1xf32>
    %get3A_12 = arith.constant 0 : index
    %get3A_13 = arith.constant 0 : index
    %get3A_14 = vector.load %arg1[%get3A_12, %get3A_13] : memref<400x128xf32, #tpu.memory_space<vmem>>, vector<400x128xf32>
    %get3A_15 = arith.constant 0 : index
    %get3A_16 = arith.constant 0 : index
    %get3A_17 = vector.load %arg3[%get3A_15, %get3A_16] : memref<128x32xf32, #tpu.memory_space<vmem>>, vector<128x32xf32>
    %dot_general3A = arith.constant dense<0.000000e+00> : vector<400x32xf32>
    %dot_general3A_18 = tpu.matmul %get3A_14, %get3A_17, %dot_general3A {dimension_numbers = #tpu.dot_dimension_numbers<[1], [0], [0], [1], [0, 0, 1, 1], [], []>, transpose_lhs_hint = false} : vector<400x128xf32>, vector<128x32xf32>, vector<400x32xf32> -> vector<400x32xf32>
    %mul3A = vector.broadcast %rsqrt3A : vector<400x1xf32> to vector<400x32xf32>
    %mul3A_19 = arith.mulf %mul3A, %dot_general3A_18 : vector<400x32xf32>
    %swap3A = arith.constant 0 : index
    %swap3A_20 = arith.constant 0 : index
    %swap3A_21 = vector.load %arg4[%swap3A, %swap3A_20] : memref<400x32xf32, #tpu.memory_space<vmem>>, vector<400x32xf32>
    tpu.vector_store %arg4[%swap3A, %swap3A_20], %mul3A_19 {strides = array<i32>} : memref<400x32xf32, #tpu.memory_space<vmem>>, vector<400x32xf32>,
    return
  }
  func.func @transform_0(%arg0: i32) -> (i32, i32) {
    %c0_i32 = arith.constant 0 : i32
    %c0_i32_0 = arith.constant 0 : i32
    return %arg0, %c0_i32 : i32, i32
  }
  func.func @transform_1(%arg0: i32) -> (i32, i32, i32) {
    %c0_i32 = arith.constant 0 : i32
    %c0_i32_0 = arith.constant 0 : i32
    %c0_i32_1 = arith.constant 0 : i32
    return %c0_i32, %arg0, %c0_i32_0 : i32, i32, i32
  }
  func.func @transform_2(%arg0: i32) -> (i32, i32) {
    %c0_i32 = arith.constant 0 : i32
    %c0_i32_0 = arith.constant 0 : i32
    %c0_i32_1 = arith.constant 0 : i32
    return %c0_i32, %c0_i32_0 : i32, i32
  }
  func.func @transform_3(%arg0: i32) -> (i32, i32) {
    %c0_i32 = arith.constant 0 : i32
    %c0_i32_0 = arith.constant 0 : i32
    return %arg0, %c0_i32 : i32, i32
  }
}

module attributes {stable_mosaic.version = 14 : i64} {
  func.func @body(%arg0: i32, %arg1: memref<2x400x32xf32, #tpu.memory_space<vmem>>, %arg2: memref<400x32xf32, #tpu.memory_space<vmem>>, %arg3: memref<2x400x8xf32, #tpu.memory_space<vmem>>, %arg4: memref<1x32xf32, #tpu.memory_space<vmem>>, %arg5: memref<32x32xf32, #tpu.memory_space<vmem>>, %arg6: memref<400x32xf32, #tpu.memory_space<vmem>>) attributes {dimension_semantics = [#tpu.dimension_semantics<arbitrary>], iteration_bounds = array<i64: 25>, scalar_prefetch = 0 : i64, scratch_operands = 0 : i64, tpu.core_type = #tpu.core_type<tc>, window_params = [{transform_indices = @transform_0, window_bounds = array<i64: 2, 400, 32>}, {transform_indices = @transform_1, window_bounds = array<i64: 400, 32>}, {transform_indices = @transform_2, window_bounds = array<i64: 2, 400, 8>}, {pipeline_mode = #tpu.pipeline_mode<synchronous>, transform_indices = @transform_3, window_bounds = array<i64: 1, 32>}, {pipeline_mode = #tpu.pipeline_mode<synchronous>, transform_indices = @transform_4, window_bounds = array<i64: 32, 32>}, {transform_indices = @transform_5, window_bounds = array<i64: 400, 32>}]} {
    %get3A = arith.constant 0 : index
    %get3A_0 = arith.constant 0 : index
    %get3A_1 = arith.constant 0 : index
    %get3A_2 = vector.load %arg3[%get3A, %get3A_0, %get3A_1] : memref<2x400x8xf32, #tpu.memory_space<vmem>>, vector<1x400x1xf32>
    %get3A_3 = vector.shape_cast %get3A_2 : vector<1x400x1xf32> to vector<400x1xf32>
    %get3A_4 = arith.constant 1 : index
    %get3A_5 = arith.constant 0 : index
    %get3A_6 = arith.constant 0 : index
    %get3A_7 = vector.load %arg3[%get3A_4, %get3A_5, %get3A_6] : memref<2x400x8xf32, #tpu.memory_space<vmem>>, vector<1x400x1xf32>
    %get3A_8 = vector.shape_cast %get3A_7 : vector<1x400x1xf32> to vector<400x1xf32>
    %add3A = arith.addf %get3A_3, %get3A_8 : vector<400x1xf32>
    %add3A_9 = arith.constant 1.000000e+00 : f32
    %add3A_10 = vector.broadcast %add3A_9 : f32 to vector<400x1xf32>
    %add3A_11 = arith.addf %add3A, %add3A_10 : vector<400x1xf32>
    %rsqrt3A = math.rsqrt %add3A_11 : vector<400x1xf32>
    %get3A_12 = arith.constant 0 : index
    %get3A_13 = arith.constant 0 : index
    %get3A_14 = arith.constant 0 : index
    %get3A_15 = vector.load %arg1[%get3A_12, %get3A_13, %get3A_14] : memref<2x400x32xf32, #tpu.memory_space<vmem>>, vector<1x400x32xf32>
    %get3A_16 = vector.shape_cast %get3A_15 : vector<1x400x32xf32> to vector<400x32xf32>
    %get3A_17 = arith.constant 1 : index
    %get3A_18 = arith.constant 0 : index
    %get3A_19 = arith.constant 0 : index
    %get3A_20 = vector.load %arg1[%get3A_17, %get3A_18, %get3A_19] : memref<2x400x32xf32, #tpu.memory_space<vmem>>, vector<1x400x32xf32>
    %get3A_21 = vector.shape_cast %get3A_20 : vector<1x400x32xf32> to vector<400x32xf32>
    %add3A_22 = arith.addf %get3A_16, %get3A_21 : vector<400x32xf32>
    %get3A_23 = arith.constant 0 : index
    %get3A_24 = arith.constant 0 : index
    %get3A_25 = vector.load %arg2[%get3A_23, %get3A_24] : memref<400x32xf32, #tpu.memory_space<vmem>>, vector<400x32xf32>
    %add3A_26 = arith.addf %add3A_22, %get3A_25 : vector<400x32xf32>
    %mul3A = vector.broadcast %rsqrt3A : vector<400x1xf32> to vector<400x32xf32>
    %mul3A_27 = arith.mulf %mul3A, %add3A_26 : vector<400x32xf32>
    %get3A_28 = arith.constant 0 : index
    %get3A_29 = arith.constant 0 : index
    %get3A_30 = vector.load %arg4[%get3A_28, %get3A_29] : memref<1x32xf32, #tpu.memory_space<vmem>>, vector<1x32xf32>
    %add3A_31 = vector.broadcast %get3A_30 : vector<1x32xf32> to vector<400x32xf32>
    %add3A_32 = arith.addf %mul3A_27, %add3A_31 : vector<400x32xf32>
    %max3A = arith.constant 0.000000e+00 : f32
    %max3A_33 = vector.broadcast %max3A : f32 to vector<400x32xf32>
    %max3A_34 = arith.maximumf %add3A_32, %max3A_33 : vector<400x32xf32>
    %get3A_35 = arith.constant 0 : index
    %get3A_36 = arith.constant 0 : index
    %get3A_37 = vector.load %arg5[%get3A_35, %get3A_36] : memref<32x32xf32, #tpu.memory_space<vmem>>, vector<32x32xf32>
    %dot_general3A = arith.constant dense<0.000000e+00> : vector<400x32xf32>
    %dot_general3A_38 = tpu.matmul %max3A_34, %get3A_37, %dot_general3A {dimension_numbers = #tpu.dot_dimension_numbers<[1], [0], [0], [1], [0, 0, 1, 1], [], []>, transpose_lhs_hint = false} : vector<400x32xf32>, vector<32x32xf32>, vector<400x32xf32> -> vector<400x32xf32>
    %mul3A_39 = vector.broadcast %rsqrt3A : vector<400x1xf32> to vector<400x32xf32>
    %mul3A_40 = arith.mulf %mul3A_39, %dot_general3A_38 : vector<400x32xf32>
    %swap3A = arith.constant 0 : index
    %swap3A_41 = arith.constant 0 : index
    %swap3A_42 = vector.load %arg6[%swap3A, %swap3A_41] : memref<400x32xf32, #tpu.memory_space<vmem>>, vector<400x32xf32>
    tpu.vector_store %arg6[%swap3A, %swap3A_41], %mul3A_40 {strides = array<i32>} : memref<400x32xf32, #tpu.memory_space<vmem>>, vector<400x32xf32>,
    return
  }
  func.func @transform_0(%arg0: i32) -> (i32, i32, i32) {
    %c0_i32 = arith.constant 0 : i32
    %c0_i32_0 = arith.constant 0 : i32
    %c0_i32_1 = arith.constant 0 : i32
    return %c0_i32, %arg0, %c0_i32_0 : i32, i32, i32
  }
  func.func @transform_1(%arg0: i32) -> (i32, i32) {
    %c0_i32 = arith.constant 0 : i32
    %c0_i32_0 = arith.constant 0 : i32
    return %arg0, %c0_i32 : i32, i32
  }
  func.func @transform_2(%arg0: i32) -> (i32, i32, i32) {
    %c0_i32 = arith.constant 0 : i32
    %c0_i32_0 = arith.constant 0 : i32
    %c0_i32_1 = arith.constant 0 : i32
    return %c0_i32, %arg0, %c0_i32_0 : i32, i32, i32
  }
  func.func @transform_3(%arg0: i32) -> (i32, i32) {
    %c0_i32 = arith.constant 0 : i32
    %c0_i32_0 = arith.constant 0 : i32
    %c0_i32_1 = arith.constant 0 : i32
    return %c0_i32, %c0_i32_0 : i32, i32
  }
  func.func @transform_4(%arg0: i32) -> (i32, i32) {
    %c0_i32 = arith.constant 0 : i32
    %c0_i32_0 = arith.constant 0 : i32
    %c0_i32_1 = arith.constant 0 : i32
    return %c0_i32, %c0_i32_0 : i32, i32
  }
  func.func @transform_5(%arg0: i32) -> (i32, i32) {
    %c0_i32 = arith.constant 0 : i32
    %c0_i32_0 = arith.constant 0 : i32
    return %arg0, %c0_i32 : i32, i32
  }
}

module attributes {stable_mosaic.version = 14 : i64} {
  func.func @body(%arg0: i32, %arg1: memref<2x400x32xf32, #tpu.memory_space<vmem>>, %arg2: memref<400x32xf32, #tpu.memory_space<vmem>>, %arg3: memref<2x400x8xf32, #tpu.memory_space<vmem>>, %arg4: memref<1x32xf32, #tpu.memory_space<vmem>>, %arg5: memref<32x16xf32, #tpu.memory_space<vmem>>, %arg6: memref<400x16xf32, #tpu.memory_space<vmem>>) attributes {dimension_semantics = [#tpu.dimension_semantics<arbitrary>], iteration_bounds = array<i64: 25>, scalar_prefetch = 0 : i64, scratch_operands = 0 : i64, tpu.core_type = #tpu.core_type<tc>, window_params = [{transform_indices = @transform_0, window_bounds = array<i64: 2, 400, 32>}, {transform_indices = @transform_1, window_bounds = array<i64: 400, 32>}, {transform_indices = @transform_2, window_bounds = array<i64: 2, 400, 8>}, {pipeline_mode = #tpu.pipeline_mode<synchronous>, transform_indices = @transform_3, window_bounds = array<i64: 1, 32>}, {pipeline_mode = #tpu.pipeline_mode<synchronous>, transform_indices = @transform_4, window_bounds = array<i64: 32, 16>}, {transform_indices = @transform_5, window_bounds = array<i64: 400, 16>}]} {
    %get3A = arith.constant 0 : index
    %get3A_0 = arith.constant 0 : index
    %get3A_1 = arith.constant 0 : index
    %get3A_2 = vector.load %arg3[%get3A, %get3A_0, %get3A_1] : memref<2x400x8xf32, #tpu.memory_space<vmem>>, vector<1x400x1xf32>
    %get3A_3 = vector.shape_cast %get3A_2 : vector<1x400x1xf32> to vector<400x1xf32>
    %get3A_4 = arith.constant 1 : index
    %get3A_5 = arith.constant 0 : index
    %get3A_6 = arith.constant 0 : index
    %get3A_7 = vector.load %arg3[%get3A_4, %get3A_5, %get3A_6] : memref<2x400x8xf32, #tpu.memory_space<vmem>>, vector<1x400x1xf32>
    %get3A_8 = vector.shape_cast %get3A_7 : vector<1x400x1xf32> to vector<400x1xf32>
    %add3A = arith.addf %get3A_3, %get3A_8 : vector<400x1xf32>
    %add3A_9 = arith.constant 1.000000e+00 : f32
    %add3A_10 = vector.broadcast %add3A_9 : f32 to vector<400x1xf32>
    %add3A_11 = arith.addf %add3A, %add3A_10 : vector<400x1xf32>
    %rsqrt3A = math.rsqrt %add3A_11 : vector<400x1xf32>
    %get3A_12 = arith.constant 0 : index
    %get3A_13 = arith.constant 0 : index
    %get3A_14 = arith.constant 0 : index
    %get3A_15 = vector.load %arg1[%get3A_12, %get3A_13, %get3A_14] : memref<2x400x32xf32, #tpu.memory_space<vmem>>, vector<1x400x32xf32>
    %get3A_16 = vector.shape_cast %get3A_15 : vector<1x400x32xf32> to vector<400x32xf32>
    %get3A_17 = arith.constant 1 : index
    %get3A_18 = arith.constant 0 : index
    %get3A_19 = arith.constant 0 : index
    %get3A_20 = vector.load %arg1[%get3A_17, %get3A_18, %get3A_19] : memref<2x400x32xf32, #tpu.memory_space<vmem>>, vector<1x400x32xf32>
    %get3A_21 = vector.shape_cast %get3A_20 : vector<1x400x32xf32> to vector<400x32xf32>
    %add3A_22 = arith.addf %get3A_16, %get3A_21 : vector<400x32xf32>
    %get3A_23 = arith.constant 0 : index
    %get3A_24 = arith.constant 0 : index
    %get3A_25 = vector.load %arg2[%get3A_23, %get3A_24] : memref<400x32xf32, #tpu.memory_space<vmem>>, vector<400x32xf32>
    %add3A_26 = arith.addf %add3A_22, %get3A_25 : vector<400x32xf32>
    %mul3A = vector.broadcast %rsqrt3A : vector<400x1xf32> to vector<400x32xf32>
    %mul3A_27 = arith.mulf %mul3A, %add3A_26 : vector<400x32xf32>
    %get3A_28 = arith.constant 0 : index
    %get3A_29 = arith.constant 0 : index
    %get3A_30 = vector.load %arg4[%get3A_28, %get3A_29] : memref<1x32xf32, #tpu.memory_space<vmem>>, vector<1x32xf32>
    %add3A_31 = vector.broadcast %get3A_30 : vector<1x32xf32> to vector<400x32xf32>
    %add3A_32 = arith.addf %mul3A_27, %add3A_31 : vector<400x32xf32>
    %max3A = arith.constant 0.000000e+00 : f32
    %max3A_33 = vector.broadcast %max3A : f32 to vector<400x32xf32>
    %max3A_34 = arith.maximumf %add3A_32, %max3A_33 : vector<400x32xf32>
    %get3A_35 = arith.constant 0 : index
    %get3A_36 = arith.constant 0 : index
    %get3A_37 = vector.load %arg5[%get3A_35, %get3A_36] : memref<32x16xf32, #tpu.memory_space<vmem>>, vector<32x16xf32>
    %dot_general3A = arith.constant dense<0.000000e+00> : vector<400x16xf32>
    %dot_general3A_38 = tpu.matmul %max3A_34, %get3A_37, %dot_general3A {dimension_numbers = #tpu.dot_dimension_numbers<[1], [0], [0], [1], [0, 0, 1, 1], [], []>, transpose_lhs_hint = false} : vector<400x32xf32>, vector<32x16xf32>, vector<400x16xf32> -> vector<400x16xf32>
    %mul3A_39 = vector.broadcast %rsqrt3A : vector<400x1xf32> to vector<400x16xf32>
    %mul3A_40 = arith.mulf %mul3A_39, %dot_general3A_38 : vector<400x16xf32>
    %swap3A = arith.constant 0 : index
    %swap3A_41 = arith.constant 0 : index
    %swap3A_42 = vector.load %arg6[%swap3A, %swap3A_41] : memref<400x16xf32, #tpu.memory_space<vmem>>, vector<400x16xf32>
    tpu.vector_store %arg6[%swap3A, %swap3A_41], %mul3A_40 {strides = array<i32>} : memref<400x16xf32, #tpu.memory_space<vmem>>, vector<400x16xf32>,
    return
  }
  func.func @transform_0(%arg0: i32) -> (i32, i32, i32) {
    %c0_i32 = arith.constant 0 : i32
    %c0_i32_0 = arith.constant 0 : i32
    %c0_i32_1 = arith.constant 0 : i32
    return %c0_i32, %arg0, %c0_i32_0 : i32, i32, i32
  }
  func.func @transform_1(%arg0: i32) -> (i32, i32) {
    %c0_i32 = arith.constant 0 : i32
    %c0_i32_0 = arith.constant 0 : i32
    return %arg0, %c0_i32 : i32, i32
  }
  func.func @transform_2(%arg0: i32) -> (i32, i32, i32) {
    %c0_i32 = arith.constant 0 : i32
    %c0_i32_0 = arith.constant 0 : i32
    %c0_i32_1 = arith.constant 0 : i32
    return %c0_i32, %arg0, %c0_i32_0 : i32, i32, i32
  }
  func.func @transform_3(%arg0: i32) -> (i32, i32) {
    %c0_i32 = arith.constant 0 : i32
    %c0_i32_0 = arith.constant 0 : i32
    %c0_i32_1 = arith.constant 0 : i32
    return %c0_i32, %c0_i32_0 : i32, i32
  }
  func.func @transform_4(%arg0: i32) -> (i32, i32) {
    %c0_i32 = arith.constant 0 : i32
    %c0_i32_0 = arith.constant 0 : i32
    %c0_i32_1 = arith.constant 0 : i32
    return %c0_i32, %c0_i32_0 : i32, i32
  }
  func.func @transform_5(%arg0: i32) -> (i32, i32) {
    %c0_i32 = arith.constant 0 : i32
    %c0_i32_0 = arith.constant 0 : i32
    return %arg0, %c0_i32 : i32, i32
  }
}

module attributes {stable_mosaic.version = 14 : i64} {
  func.func @body(%arg0: i32, %arg1: memref<2x400x16xf32, #tpu.memory_space<vmem>>, %arg2: memref<400x16xf32, #tpu.memory_space<vmem>>, %arg3: memref<2x400x8xf32, #tpu.memory_space<vmem>>, %arg4: memref<1x16xf32, #tpu.memory_space<vmem>>, %arg5: memref<400x16xf32, #tpu.memory_space<vmem>>) attributes {dimension_semantics = [#tpu.dimension_semantics<arbitrary>], iteration_bounds = array<i64: 25>, scalar_prefetch = 0 : i64, scratch_operands = 0 : i64, tpu.core_type = #tpu.core_type<tc>, window_params = [{transform_indices = @transform_0, window_bounds = array<i64: 2, 400, 16>}, {transform_indices = @transform_1, window_bounds = array<i64: 400, 16>}, {transform_indices = @transform_2, window_bounds = array<i64: 2, 400, 8>}, {pipeline_mode = #tpu.pipeline_mode<synchronous>, transform_indices = @transform_3, window_bounds = array<i64: 1, 16>}, {transform_indices = @transform_4, window_bounds = array<i64: 400, 16>}]} {
    %get3A = arith.constant 0 : index
    %get3A_0 = arith.constant 0 : index
    %get3A_1 = arith.constant 0 : index
    %get3A_2 = vector.load %arg3[%get3A, %get3A_0, %get3A_1] : memref<2x400x8xf32, #tpu.memory_space<vmem>>, vector<1x400x1xf32>
    %get3A_3 = vector.shape_cast %get3A_2 : vector<1x400x1xf32> to vector<400x1xf32>
    %get3A_4 = arith.constant 1 : index
    %get3A_5 = arith.constant 0 : index
    %get3A_6 = arith.constant 0 : index
    %get3A_7 = vector.load %arg3[%get3A_4, %get3A_5, %get3A_6] : memref<2x400x8xf32, #tpu.memory_space<vmem>>, vector<1x400x1xf32>
    %get3A_8 = vector.shape_cast %get3A_7 : vector<1x400x1xf32> to vector<400x1xf32>
    %add3A = arith.addf %get3A_3, %get3A_8 : vector<400x1xf32>
    %add3A_9 = arith.constant 1.000000e+00 : f32
    %add3A_10 = vector.broadcast %add3A_9 : f32 to vector<400x1xf32>
    %add3A_11 = arith.addf %add3A, %add3A_10 : vector<400x1xf32>
    %rsqrt3A = math.rsqrt %add3A_11 : vector<400x1xf32>
    %get3A_12 = arith.constant 0 : index
    %get3A_13 = arith.constant 0 : index
    %get3A_14 = arith.constant 0 : index
    %get3A_15 = vector.load %arg1[%get3A_12, %get3A_13, %get3A_14] : memref<2x400x16xf32, #tpu.memory_space<vmem>>, vector<1x400x16xf32>
    %get3A_16 = vector.shape_cast %get3A_15 : vector<1x400x16xf32> to vector<400x16xf32>
    %get3A_17 = arith.constant 1 : index
    %get3A_18 = arith.constant 0 : index
    %get3A_19 = arith.constant 0 : index
    %get3A_20 = vector.load %arg1[%get3A_17, %get3A_18, %get3A_19] : memref<2x400x16xf32, #tpu.memory_space<vmem>>, vector<1x400x16xf32>
    %get3A_21 = vector.shape_cast %get3A_20 : vector<1x400x16xf32> to vector<400x16xf32>
    %add3A_22 = arith.addf %get3A_16, %get3A_21 : vector<400x16xf32>
    %get3A_23 = arith.constant 0 : index
    %get3A_24 = arith.constant 0 : index
    %get3A_25 = vector.load %arg2[%get3A_23, %get3A_24] : memref<400x16xf32, #tpu.memory_space<vmem>>, vector<400x16xf32>
    %add3A_26 = arith.addf %add3A_22, %get3A_25 : vector<400x16xf32>
    %mul3A = vector.broadcast %rsqrt3A : vector<400x1xf32> to vector<400x16xf32>
    %mul3A_27 = arith.mulf %mul3A, %add3A_26 : vector<400x16xf32>
    %get3A_28 = arith.constant 0 : index
    %get3A_29 = arith.constant 0 : index
    %get3A_30 = vector.load %arg4[%get3A_28, %get3A_29] : memref<1x16xf32, #tpu.memory_space<vmem>>, vector<1x16xf32>
    %add3A_31 = vector.broadcast %get3A_30 : vector<1x16xf32> to vector<400x16xf32>
    %add3A_32 = arith.addf %mul3A_27, %add3A_31 : vector<400x16xf32>
    %iota3A = tpu.iota {dimensions = array<i32: 1>} : vector<400x16xi32>
    %lt3A = arith.constant 12 : i32
    %lt3A_33 = vector.broadcast %lt3A : i32 to vector<400x16xi32>
    %lt3A_34 = arith.cmpi slt, %iota3A, %lt3A_33 : vector<400x16xi32>
    %jit3A = arith.constant -1.000000e+30 : f32
    %broadcast_in_dim3A = vector.broadcast %jit3A : f32 to vector<400x16xf32>
    %select_n3A = arith.select %lt3A_34, %add3A_32, %broadcast_in_dim3A : vector<400x16xi1>, vector<400x16xf32>
    %reduce_max3A = arith.constant dense<0xFF800000> : vector<400xf32>
    %reduce_max3A_35 = vector.multi_reduction <maximumf>, %select_n3A, %reduce_max3A [1] : vector<400x16xf32> to vector<400xf32>
    %broadcast_in_dim3A_36 = vector.shape_cast %reduce_max3A_35 : vector<400xf32> to vector<400x1xf32>
    %sub3A = vector.broadcast %broadcast_in_dim3A_36 : vector<400x1xf32> to vector<400x16xf32>
    %sub3A_37 = arith.subf %add3A_32, %sub3A : vector<400x16xf32>
    %exp3A = math.exp %sub3A_37 : vector<400x16xf32>
    %jit3A_38 = arith.constant 0.000000e+00 : f32
    %broadcast_in_dim3A_39 = vector.broadcast %jit3A_38 : f32 to vector<400x16xf32>
    %select_n3A_40 = arith.select %lt3A_34, %exp3A, %broadcast_in_dim3A_39 : vector<400x16xi1>, vector<400x16xf32>
    %reduce_sum3A = arith.constant dense<0.000000e+00> : vector<400xf32>
    %reduce_sum3A_41 = vector.multi_reduction <add>, %select_n3A_40, %reduce_sum3A [1] : vector<400x16xf32> to vector<400xf32>
    %broadcast_in_dim3A_42 = vector.shape_cast %reduce_sum3A_41 : vector<400xf32> to vector<400x1xf32>
    %log3A = math.log %broadcast_in_dim3A_42 : vector<400x1xf32>
    %sub3A_43 = vector.broadcast %broadcast_in_dim3A_36 : vector<400x1xf32> to vector<400x16xf32>
    %sub3A_44 = arith.subf %add3A_32, %sub3A_43 : vector<400x16xf32>
    %sub3A_45 = vector.broadcast %log3A : vector<400x1xf32> to vector<400x16xf32>
    %sub3A_46 = arith.subf %sub3A_44, %sub3A_45 : vector<400x16xf32>
    %swap3A = arith.constant 0 : index
    %swap3A_47 = arith.constant 0 : index
    %swap3A_48 = vector.load %arg5[%swap3A, %swap3A_47] : memref<400x16xf32, #tpu.memory_space<vmem>>, vector<400x16xf32>
    tpu.vector_store %arg5[%swap3A, %swap3A_47], %sub3A_46 {strides = array<i32>} : memref<400x16xf32, #tpu.memory_space<vmem>>, vector<400x16xf32>,
    return
  }
  func.func @transform_0(%arg0: i32) -> (i32, i32, i32) {
    %c0_i32 = arith.constant 0 : i32
    %c0_i32_0 = arith.constant 0 : i32
    %c0_i32_1 = arith.constant 0 : i32
    return %c0_i32, %arg0, %c0_i32_0 : i32, i32, i32
  }
  func.func @transform_1(%arg0: i32) -> (i32, i32) {
    %c0_i32 = arith.constant 0 : i32
    %c0_i32_0 = arith.constant 0 : i32
    return %arg0, %c0_i32 : i32, i32
  }
  func.func @transform_2(%arg0: i32) -> (i32, i32, i32) {
    %c0_i32 = arith.constant 0 : i32
    %c0_i32_0 = arith.constant 0 : i32
    %c0_i32_1 = arith.constant 0 : i32
    return %c0_i32, %arg0, %c0_i32_0 : i32, i32, i32
  }
  func.func @transform_3(%arg0: i32) -> (i32, i32) {
    %c0_i32 = arith.constant 0 : i32
    %c0_i32_0 = arith.constant 0 : i32
    %c0_i32_1 = arith.constant 0 : i32
    return %c0_i32, %c0_i32_0 : i32, i32
  }
  func.func @transform_4(%arg0: i32) -> (i32, i32) {
    %c0_i32 = arith.constant 0 : i32
    %c0_i32_0 = arith.constant 0 : i32
    return %arg0, %c0_i32 : i32, i32
  }
}

</mosaic_0001>

<sc_bundles>
// kernel: kernel.10.cloned.1.call-start
scs
__scs_entry_jumppad:
0x0: {  	(pc) =	sbr.rel $0x88, $3  }
0x1: {  	(tag) =	ssettag $0x0;
	lr =	simm.s32 $0x1  }
0x2: {  	[smem:$0x3F99] =	sst lr;
	_ =	strace $0xD0000000  }
0x3: {  	_ = 	snop  }
0x4: {  	_ = 	snop  }
0x5: {  	_ = 	snop  }
0x6: {  	_ = 	snop  }
0x7: {  	_ = 	snop  }
__scs_overlays_trampoline_lowered:
0x8: {  	[smem:$0x3FA8] =	sst s0  }
0x9: {  	[smem:$0x3FA9] =	sst s1  }
0xa: {  	[smem:$0x3FAA] =	sst s2  }
0xb: {  	[smem:$0x3FAB] =	sst s3  }
0xc: {  	[smem:$0x3FAC] =	sst s4  }
0xd: {  	[smem:$0x3FAD] =	sst s5  }
0xe: {  	[smem:$0x3FAE] =	sst s6  }
0xf: {  	[smem:$0x3FAF] =	sst s7  }
0x10: {  	[smem:$0x3FB0] =	sst s8  }
0x11: {  	[smem:$0x3FB1] =	sst s9;
	s0 =	simm.s32 @!p0 $0x0  }
0x12: {  	s1 =	sld [smem:$0x3F97];
	s0 =	simm.s32 @p0 $0x1  }
0x13: {  	[smem:$0x3FB2] =	sst s0;
	s0 =	simm.s32 @!p1 $0x0  }
0x14: {  	s2 =	sld [smem:$0x3F96];
	s0 =	simm.s32 @p1 $0x1  }
0x15: {  	[smem:$0x3FB3] =	sst s0;
	s0 =	simm.s32 @!p2 $0x0  }
0x16: {  	s3 =	sld [smem:$0x3FDB];
	s0 =	simm.s32 @p2 $0x1  }
0x17: {  	s4 =	simm.s32 $0x1BF5;
	[smem:$0x3FB5] =	sst s0  }
0x18: {  	s0 =	sld [smem:$0x3F98];
	_ =	swait.ge [sflag:s4], $0x0  }
0x19: {  	s7 =	sld [smem:$0x3F99]  }
0x1a: {  	s8 =	sadd.s32 $0xFFFFE003, lr  }
0x1b: {  	s9 =	sadd.s32 $0xFFFFFEF7, lr;
	s5 =	simm.s32 $0xFFFFFFFF;
	p2 =	slt.u32 s8, $0xFFFFF086  }
0x1c: {  	p1 =	slt.u32 s9, $0xF7A;
	s5 =	simm.s32 @!p2 $0x0  }
0x1d: {  	s5 =	simm.s32 @p1 $0x1;
	p0 =	seq.s32 s7, s2  }
0x1e: {  	s7 =	smul.u32 @!p0 $0xF7A, s2;
	p2 =	seq.s32 @!p0 s5, $0x0  }
0x1f: {  	s9 =	smul.u32 $0xF7A, s1;
	s8 =	simm.s32 @!p0 $0x1BF5;
	p2 =	por !p2, p0  }
0x20: {  	[sflag:s8] =	ssyncset.s32 @!p0 $0xFFFFF086;
	s6 =	sadd.s32 @!p0 s3, s7;
	s7 =	simm.s32 @!p0 $0x108  }
0x21: {  	s3 =	sadd.s32 s3, s9;
	s6 =	sadd.s32 @!p0 $0x88, s6;
	s7 =	simm.s32 @p2 $0x1082  }
0x22: {  	[simem:s7], [sflag:s8] =	dma.local @!p0 [hbm:s6], $0xF7A  }
0x23: {  	s9 =	sor.u32 $0xD0000000, s2;
	s6 =	simm.s32 $0x108;
	_ =	swait.ge @!p0 [sflag:s8], $0x0  }
0x24: {  	s3 =	sadd.s32 $0x88, s3;
	s6 =	simm.s32 @!p1 $0x1082;
	[sflag:s4] =	ssyncset.s32 $0xFFFFF086  }
0x25: {  	[simem:s6], [sflag:s4] =	dma.local [hbm:s3], $0xF7A  }
0x26: {  	[smem:$0x3F99] =	sst s1;
	(tag) =	ssettag s2;
	_ =	strace s9  }
0x27: {  	s1 =	sld [smem:$0x3FA9]  }
0x28: {  	s2 =	sld [smem:$0x3FAA]  }
0x29: {  	s4 =	sld [smem:$0x3FAC]  }
0x2a: {  	p0 =	seq.s32 s5, $0x0;
	s5 =	sld [smem:$0x3FAD]  }
0x2b: {  	s6 =	sld [smem:$0x3FAE]  }
0x2c: {  	s7 =	sld [smem:$0x3FAF]  }
0x2d: {  	s3 =	simm.s32 $0x108;
	s8 =	sld [smem:$0x3FB0]  }
0x2e: {  	s3 =	simm.s32 @!p0 $0x1082;
	s9 =	sld [smem:$0x3FB1]  }
0x2f: {  	lr =	sadd.s32 s0, s3;
	s0 =	sld [smem:$0x3FA8]  }
0x30: {  	s3 =	sld [smem:$0x3FAB]  }
0x31: {  	[smem:$0x3FB4] =	sst s10  }
0x32: {  	s10 =	sld [smem:$0x3FB2];
	_ =	sdelay $0x3  }
0x33: {  	p0 =	seq.s32 s10, $0x1;
	s10 =	sld [smem:$0x3FB4];
	_ =	sdelay $0x3  }
0x34: {  	[smem:$0x3FB4] =	sst s10  }
0x35: {  	s10 =	sld [smem:$0x3FB3];
	_ =	sdelay $0x3  }
0x36: {  	p1 =	seq.s32 s10, $0x1;
	s10 =	sld [smem:$0x3FB4];
	_ =	sdelay $0x3  }
0x37: {  	[smem:$0x3FB4] =	sst s10  }
0x38: {  	s10 =	sld [smem:$0x3FB5]  }
0x39: {  	_ = 	snop;
	(pc) =	sbr.ind lr, $3  }
0x3a: {  	_ = 	snop  }
0x3b: {  	_ = 	snop  }
0x3c: {  	p2 =	seq.s32 s10, $0x1;
	s10 =	sld [smem:$0x3FB4]  }
0x3d: {  	_ =	shalt  }
0x3e: {  	_ =	shalt  }
0x3f: {  	_ =	shalt  }
0x40: {  	_ =	shalt  }
0x41: {  	_ =	shalt  }
0x42: {  	_ =	shalt  }
0x43: {  	_ =	shalt  }
0x44: {  	_ =	shalt  }
0x45: {  	_ =	shalt  }
0x46: {  	_ =	shalt  }
0x47: {  	_ =	shalt  }
0x48: {  	_ =	shalt  }
0x49: {  	_ =	shalt  }
0x4a: {  	_ =	shalt  }
0x4b: {  	_ =	shalt  }
0x4c: {  	_ =	shalt  }
0x4d: {  	_ =	shalt  }
0x4e: {  	_ =	shalt  }
0x4f: {  	_ =	shalt  }
0x50: {  	_ =	shalt  }
0x51: {  	_ =	shalt  }
0x52: {  	_ =	shalt  }
0x53: {  	_ =	shalt  }
0x54: {  	_ =	shalt  }
0x55: {  	_ =	shalt  }
0x56: {  	_ =	shalt  }
0x57: {  	_ =	shalt  }
0x58: {  	_ =	shalt  }
0x59: {  	_ =	shalt  }
0x5a: {  	_ =	shalt  }
0x5b: {  	_ =	shalt  }
0x5c: {  	_ =	shalt  }
0x5d: {  	_ =	shalt  }
0x5e: {  	_ =	shalt  }
0x5f: {  	_ =	shalt  }
0x60: {  	_ =	shalt  }
0x61: {  	_ =	shalt  }
0x62: {  	_ =	shalt  }
0x63: {  	_ =	shalt  }
0x64: {  	_ =	shalt  }
0x65: {  	_ =	shalt  }
0x66: {  	_ =	shalt  }
0x67: {  	_ =	shalt  }
0x68: {  	_ =	shalt  }
0x69: {  	_ =	shalt  }
0x6a: {  	_ =	shalt  }
0x6b: {  	_ =	shalt  }
0x6c: {  	_ =	shalt  }
0x6d: {  	_ =	shalt  }
0x6e: {  	_ =	shalt  }
0x6f: {  	_ =	shalt  }
0x70: {  	_ =	shalt  }
0x71: {  	_ =	shalt  }
0x72: {  	_ =	shalt  }
0x73: {  	_ =	shalt  }
0x74: {  	_ =	shalt  }
0x75: {  	_ =	shalt  }
0x76: {  	_ =	shalt  }
0x77: {  	_ =	shalt  }
0x78: {  	_ =	shalt  }
0x79: {  	_ =	shalt  }
0x7a: {  	_ =	shalt  }
0x7b: {  	_ =	shalt  }
0x7c: {  	_ =	shalt  }
0x7d: {  	_ =	shalt  }
0x7e: {  	_ =	shalt  }
0x7f: {  	_ =	shalt  }
0x80: {  	_ =	shalt  }
0x81: {  	_ =	shalt  }
0x82: {  	_ =	shalt  }
0x83: {  	_ =	shalt  }
0x84: {  	_ =	shalt  }
0x85: {  	_ =	shalt  }
0x86: {  	_ =	shalt  }
0x87: {  	_ =	shalt  }
.Lfunc_end0:
.L_simem_size_0:
called_computation_lowered:
.L_overlay_start_0:
0x88: {  	s2 =	sld [smem:$0x3FD9]  }
0x89: {  	s3 =	sld [smem:$0x3FFE];
	_ =	sdelay $0x1  }
0x8a: {  	s1 =	srdreg.scid  }
0x8b: {  	s0 =	sand.u32 $0x1, s1  }
0x8c: {  	s17 =	sshll.u32 s0, $0xA;
	s2 =	sadd.s32 s3, s2  }
0x8d: {  	s2 =	sadd.s32 s2, s17  }
0x8e: {  	[smem:$0x3FC0] =	sst s2  }
0x8f: {  	_ = 	snop  }
0x90: {  	s2 =	sld [smem:$0x3FD0];
	(tm) =	ssettm $0x1  }
0x91: {  	s18 =	sld [smem:$0x3FFB];
	_ =	sdelay $0x3  }
0x92: {  	_ =	strace s18  }
0x93: {  	s3 =	sld [smem:$0x3FFC];
	_ =	sdelay $0x3  }
0x94: {  	_ =	strace s3  }
0x95: {  	s3 =	sld [smem:$0x3FFD];
	_ =	sdelay $0x3  }
0x96: {  	_ =	strace s3  }
0x97: {  	_ =	strace $0x8FFFFFFF  }
0x98: {  	s19 =	sld [smem:$0x3FDB];
	_ =	sdelay $0x1  }
0x99: {  	s4 =	simm.s32 $_scs_section_size  }
0x9a: {  	s5 =	simm.s32 $_size__tile_overlayer_lowered;
	s6 =	simm.s32 $_tile_overlayer_lowered  }
0x9b: {  	s22 =	simm.s32 $0x1BFF;
	s21 =	sshll.u32 s6, $0x1;
	s3 =	sadd.s32 s4, s19  }
0x9c: {  	s7 =	simm.s32 $0x0;
	s20 =	sshll.u32 s5, $0x1;
	s5 =	sadd.s32 s21, s3  }
0x9d: {  	[timem:s7], [sflag:s22] =	dma.local [hbm:s5], s20  }
0x9e: {  	_ =	swait.ge [sflag:s22], s20  }
0x9f: {  	s4 =	ssub.s32 $0x0, s20;
	[sflag:s22] =	ssyncset.done $0x0  }
0xa0: {  	[sflag:s22] =	ssyncadd.s32 s4;
	_ =	sdelay $0x1  }
0xa1: {  	s23 =	simm.s32 $0x1B8B  }
0xa2: {  	_ =	swait.ge [sflag:s23], $0x1  }
0xa3: {  	[sflag:s23] =	ssyncset.done $0x0  }
0xa4: {  	s25 =	simm.s32 $0x1B8E;
	s24 =	sld [smem:$0x3FFE];
	[sflag:s23] =	ssyncadd.s32 $0xFFFFFFFF  }
0xa5: {  	s26 =	simm.s32 $execute0_lowered;
	[smem:$0x3FD2] =	sst s25  }
0xa6: {  	s5 =	sshll.u32 s26, $0x1;
	_ =	strace $0x80000046;
	[dreg:$0x1] =	wrdreg $0xFFFFFFFF  }
0xa7: {  	s28 =	simm.s32 $_size_execute0_lowered;
	s3 =	sadd.s32 s3, s5;
	[dreg:$0x0] =	wrdreg $0x0  }
0xa8: {  	s5 =	sshll.u32 s28, $0x1;
	[dreg:$0x2] =	wrdreg s3  }
0xa9: {  	[dreg:$0x3] =	wrdreg s5  }
0xaa: {  	[dreg:$0x4] =	wrdreg $0xC0  }
0xab: {  	_ =	task [dreg:s7], $0x5FFFF  }
0xac: {  	[dreg:$0x1] =	wrdreg $0xFFFFFFFF  }
0xad: {  	[dreg:$0x0] =	wrdreg $0x60  }
0xae: {  	[dreg:$0x2] =	wrdreg s24  }
0xaf: {  	[dreg:$0x3] =	wrdreg s2  }
0xb0: {  	[dreg:$0x4] =	wrdreg $0x2C000  }
0xb1: {  	[dreg:$0x5] =	wrdreg $0x9  }
0xb2: {  	_ =	task.clear_ibuf [dreg:s7], $0x6FFFF;
	_ =	strace $0x90000046  }
0xb3: {  	s29 =	simm.s32 $0x9;
	_ =	strace $0x80000048  }
0xb4: {  	_ =	swait.ge [sflag:s29], $0x1  }
0xb5: {  	[sflag:s29] =	ssyncadd.s32 $0xFFFFFFFF  }
0xb6: {  	_ =	strace $0x90000048  }
0xb7: {  	_ =	sfence  }
0xb8: {  	s30 =	sld [smem:$0x0];
	_ =	sdelay $0x2  }
0xb9: {  	s31 =	sshll.u32 s1, $0xD;
	s1 =	sshrl.u32 s1, $0x2  }
0xba: {  	s3 =	sand.u32 $0x4000, s31;
	s1 =	sadd.s32 s1, s30  }
0xbb: {  	s0 =	sor.u32 s3, s0;
	s1 =	sshll.u32 s1, $0x11  }
0xbc: {  	s0 =	sor.u32 s1, s0  }
0xbd: {  	s0 =	sadd.s32 $0x8F2B, s0  }
0xbe: {  	[sflag:s0] =	ssyncadd.remote.s32 $0x1  }
0xbf: {  	_ =	sfence.sel $0xFFFF  }
0xc0: {  	[dreg:$0x0] =	wrdreg $0xFFFFFFFF;
	(pc) =	sbr.abs _section_cstart, $3  }
0xc1: {  	[dreg:$0x1] =	wrdreg $0xFFFFFFFF  }
0xc2: {  	_ =	task.clear_ibuf [dreg:s7], $0x2FFFF;
	_ =	strace $0x9FFFFFFF  }
0xc3: {  	(tm) =	ssettm $0x7FFFFFFF  }
tec
execute0_lowered:
.L_overlay_start_1:
0x0: {  	(tag) =	ssettag $0x1  }
0x1: {  	s5 =	rddreg [dreg:$0x0]  }
0x2: {  	s1 =	srdreg.scid;
	s6 =	rddreg [dreg:$0x1]  }
0x3: {  	s0 =	stileid.u32;
	s2 =	rddreg [dreg:$0x2];
	s3 =	simm.s32 $0x0  }
0x4: {  	s12 =	simm.s32 $0x2800;
	s13 =	simm.s32 $0x80;
	s14 =	simm.s32 $0x0  }
0x5: {  	s4 =	sand.u32 $0x1, s1;
	s28 =	sshll.u32 s0, $0x1;
	s8 =	smul.u32 $0x1400, s0  }
0x6: {  	[smem:$0x7FF] =	sst s3;
	s31 =	sshll.u32 s0, $0x6;
	s1 =	sor.u32 s4, s28  }
0x7: {  	s9 =	smul.u32 $0x14000, s4;
	s10 =	ssub.s32 $0x2, s4;
	s4 =	sadd.s32 $0x16A00, s5  }
0x8: {  	s7 =	smul.u32 $0x500, s1;
	s1 =	rddreg [dreg:$0x3];
	_ =	strace $0x80000047  }
0x9: {  	s11 =	sshrl.u32 s10, $0x1;
	s29 =	sshrl.u32 s8, $0x3;
	s9 =	sadd.s32 s8, s9  }
0xa: {  	s30 =	sadd.s32 s8, s2;
	s10 =	ssub.s32 s10, s11;
	s9 =	sshrl.u32 s9, $0x3  }
0xb: {  	s11 =	simm.s32 $0x1;
	s7 =	sadd.s32 s7, s5;
	s9 =	sadd.s32 s9, s5  }
0xc: {  	s5 =	sadd.s32 s6, s29;
	s6 =	sor.u32 $0x1C01, s31;
	s7 =	sadd.s32 $0x2A00, s7  }
0xd: {  	s8 =	sadd.s32 $0x16C00, s9;
	s9 =	smax.u32 s10, $0x1;
	s10 =	sshrl.u32 s30, $0x3  }
.LBB2_1:
0xe: {  	[spmem:s10], [sflag:s6] =	dma.local [hbm:s5], $0x280  }
0xf: {  	_ =	swait.ge [sflag:s11], $0x280  }
0x10: {  	[sflag:s11] =	ssyncset.done $0x0  }
0x11: {  	[sflag:s11] =	ssyncadd.s32 $0xFFFFFD80  }
0x12: {  	[tilespmem:s3], [sflag:$0x1] =	stream.linear.gather [hbm4b:s7+s3], $0x2800, $0x38;
	[tilespmem:$0x4000] =	vst v63  }
0x13: {  	_ =	swait.ge [sflag:s11], $0x2800  }
0x14: {  	[sflag:s11] =	ssyncset.done $0x0  }
0x15: {  	[sflag:s11] =	ssyncadd.s32 $0xFFFFD800  }
0x16: {  	[tilespmem:s12], [sflag:$0x1] =	stream.linear.gather [hbm4b:s4+s3], $0x400, $0x38;
	[tilespmem:$0x4000] =	vst v63  }
0x17: {  	_ =	swait.ge [sflag:s11], $0x400  }
0x18: {  	[sflag:s11] =	ssyncset.done $0x0  }
0x19: {  	[sflag:s11] =	ssyncadd.s32 $0xFFFFFC00  }
0x1a: {  	s15 =	simm.s32 $0x0;
	[bflag:$0x0] =	sbarrier.arrive $0xFFFF  }
0x1b: {  	[spmem:s2] =	stream.indirect.scatter.add.f32 [tilespmem:s12], [sflag:$0x1], $0x8, s15, s13, $0xb8;
	[tilespmem:$0x4000] =	vst v63  }
0x1c: {  	_ =	swait.ge [sflag:s11], $0x400  }
0x1d: {  	s15 =	simm.s32 $0x200;
	[sflag:s11] =	ssyncset.done $0x0  }
.LBB2_2:
0x1e: {  	s16 =	sshra.s32 s15, $0x2;
	[sflag:s11] =	ssyncadd.s32 $0xFFFFFC00;
	p0 =	sne.s32 s15, $0x9E00  }
0x1f: {  	[spmem:s2] =	stream.indirect.scatter.add.f32 [tilespmem:s12], [sflag:$0x1], $0x8, s16, s13, $0xb8;
	[tilespmem:$0x4000] =	vst v63  }
.Ltmp0:
0x20: {  	_ = 	snop;
	(pc) =	sbr.rel @p0 .LBB2_2-.Ltmp0, $4  }
0x21: {  	_ = 	snop  }
0x22: {  	s15 =	sadd.s32 $0x200, s15  }
0x23: {  	_ =	swait.ge [sflag:s11], $0x400  }
0x24: {  	[sflag:s11] =	ssyncset.done $0x0  }
0x25: {  	s14 =	sadd.s32 $0x1, s14  }
0x26: {  	[sflag:s11] =	ssyncadd.s32 $0xFFFFFC00;
	p0 =	sne.s32 s14, s9  }
.Ltmp1:
0x27: {  	[bflag:$0x0] =	sbarrier.arrive $0xFFFF;
	(pc) =	sbr.rel @p0 .LBB2_1-.Ltmp1, $4  }
0x28: {  	[hbm:s8], [sflag:s6] =	dma.local [spmem:s10], $0x280  }
0x29: {  	_ =	swait.ge [sflag:s11], $0x280  }
0x2a: {  	[sflag:s11] =	ssyncset.done $0x0  }
0x2b: {  	[sflag:s11] =	ssyncadd.s32 $0xFFFFFD80  }
0x2c: {  	_ =	sfence.sel $0x180000  }
0x2d: {  	[bflag:$0x0] =	sbarrier.arrive $0xFFFF  }
0x2e: {  	p0 =	sne.s32 s0, $0x0;
	_ =	strace $0x90000047  }
0x2f: {  	s0 =	sadd.s32 @!p0 $0x100000, s1;
	[bflag:$0x2] =	sbarrier.arrive $0xFFFF  }
0x30: {  	[sflag:s0] =	ssyncadd.tile.s32 @!p0 $0x1;
	_ =	shalt  }
.Lfunc_end2:
_tile_overlayer_lowered:
.L_overlay_start_2:
0x31: {  	(tag) =	ssettag $0x2  }
0x32: {  	s0 =	rddreg [dreg:$0x0];
	s2 =	stileid.u32  }
0x33: {  	s1 =	rddreg [dreg:$0x1];
	p0 =	sne.s32 s2, $0x0  }
0x34: {  	s3 =	rddreg [dreg:$0x2];
	[bflag:$0x3] =	sbarrier.arrive $0xFFFF;
	s2 =	simm.s32 @!p0 $0x1C01  }
0x35: {  	[timem:s3], [sflag:s2] =	dma.local @!p0 [hbm:s0], s1  }
0x36: {  	s0 =	simm.s32 @!p0 $0x1  }
0x37: {  	_ =	swait.ge @!p0 [sflag:s0], s1  }
0x38: {  	s1 =	ssub.s32 @!p0 $0x0, s1;
	[sflag:s0] =	ssyncset.done @!p0 $0x0  }
0x39: {  	[sflag:s0] =	ssyncadd.s32 @!p0 s1  }
0x3a: {  	[bflag:$0x3] =	sbarrier.arrive $0xFFFF  }
0x3b: {  	_ =	shalt  }

// kernel: kernel.13.cloned.1.call-start
scs
__scs_entry_jumppad:
0x0: {  	(pc) =	sbr.rel $0x88, $3  }
0x1: {  	(tag) =	ssettag $0x0;
	lr =	simm.s32 $0x1  }
0x2: {  	[smem:$0x3F99] =	sst lr;
	_ =	strace $0xD0000000  }
0x3: {  	_ = 	snop  }
0x4: {  	_ = 	snop  }
0x5: {  	_ = 	snop  }
0x6: {  	_ = 	snop  }
0x7: {  	_ = 	snop  }
__scs_overlays_trampoline_lowered:
0x8: {  	[smem:$0x3FA8] =	sst s0  }
0x9: {  	[smem:$0x3FA9] =	sst s1  }
0xa: {  	[smem:$0x3FAA] =	sst s2  }
0xb: {  	[smem:$0x3FAB] =	sst s3  }
0xc: {  	[smem:$0x3FAC] =	sst s4  }
0xd: {  	[smem:$0x3FAD] =	sst s5  }
0xe: {  	[smem:$0x3FAE] =	sst s6  }
0xf: {  	[smem:$0x3FAF] =	sst s7  }
0x10: {  	[smem:$0x3FB0] =	sst s8  }
0x11: {  	[smem:$0x3FB1] =	sst s9;
	s0 =	simm.s32 @!p0 $0x0  }
0x12: {  	s1 =	sld [smem:$0x3F97];
	s0 =	simm.s32 @p0 $0x1  }
0x13: {  	[smem:$0x3FB2] =	sst s0;
	s0 =	simm.s32 @!p1 $0x0  }
0x14: {  	s2 =	sld [smem:$0x3F96];
	s0 =	simm.s32 @p1 $0x1  }
0x15: {  	[smem:$0x3FB3] =	sst s0;
	s0 =	simm.s32 @!p2 $0x0  }
0x16: {  	s3 =	sld [smem:$0x3FDB];
	s0 =	simm.s32 @p2 $0x1  }
0x17: {  	s4 =	simm.s32 $0x1BF5;
	[smem:$0x3FB5] =	sst s0  }
0x18: {  	s0 =	sld [smem:$0x3F98];
	_ =	swait.ge [sflag:s4], $0x0  }
0x19: {  	s7 =	sld [smem:$0x3F99]  }
0x1a: {  	s8 =	sadd.s32 $0xFFFFE003, lr  }
0x1b: {  	s9 =	sadd.s32 $0xFFFFFEF7, lr;
	s5 =	simm.s32 $0xFFFFFFFF;
	p2 =	slt.u32 s8, $0xFFFFF086  }
0x1c: {  	p1 =	slt.u32 s9, $0xF7A;
	s5 =	simm.s32 @!p2 $0x0  }
0x1d: {  	s5 =	simm.s32 @p1 $0x1;
	p0 =	seq.s32 s7, s2  }
0x1e: {  	s7 =	smul.u32 @!p0 $0xF7A, s2;
	p2 =	seq.s32 @!p0 s5, $0x0  }
0x1f: {  	s9 =	smul.u32 $0xF7A, s1;
	s8 =	simm.s32 @!p0 $0x1BF5;
	p2 =	por !p2, p0  }
0x20: {  	[sflag:s8] =	ssyncset.s32 @!p0 $0xFFFFF086;
	s6 =	sadd.s32 @!p0 s3, s7;
	s7 =	simm.s32 @!p0 $0x108  }
0x21: {  	s3 =	sadd.s32 s3, s9;
	s6 =	sadd.s32 @!p0 $0x88, s6;
	s7 =	simm.s32 @p2 $0x1082  }
0x22: {  	[simem:s7], [sflag:s8] =	dma.local @!p0 [hbm:s6], $0xF7A  }
0x23: {  	s9 =	sor.u32 $0xD0000000, s2;
	s6 =	simm.s32 $0x108;
	_ =	swait.ge @!p0 [sflag:s8], $0x0  }
0x24: {  	s3 =	sadd.s32 $0x88, s3;
	s6 =	simm.s32 @!p1 $0x1082;
	[sflag:s4] =	ssyncset.s32 $0xFFFFF086  }
0x25: {  	[simem:s6], [sflag:s4] =	dma.local [hbm:s3], $0xF7A  }
0x26: {  	[smem:$0x3F99] =	sst s1;
	(tag) =	ssettag s2;
	_ =	strace s9  }
0x27: {  	s1 =	sld [smem:$0x3FA9]  }
0x28: {  	s2 =	sld [smem:$0x3FAA]  }
0x29: {  	s4 =	sld [smem:$0x3FAC]  }
0x2a: {  	p0 =	seq.s32 s5, $0x0;
	s5 =	sld [smem:$0x3FAD]  }
0x2b: {  	s6 =	sld [smem:$0x3FAE]  }
0x2c: {  	s7 =	sld [smem:$0x3FAF]  }
0x2d: {  	s3 =	simm.s32 $0x108;
	s8 =	sld [smem:$0x3FB0]  }
0x2e: {  	s3 =	simm.s32 @!p0 $0x1082;
	s9 =	sld [smem:$0x3FB1]  }
0x2f: {  	lr =	sadd.s32 s0, s3;
	s0 =	sld [smem:$0x3FA8]  }
0x30: {  	s3 =	sld [smem:$0x3FAB]  }
0x31: {  	[smem:$0x3FB4] =	sst s10  }
0x32: {  	s10 =	sld [smem:$0x3FB2];
	_ =	sdelay $0x3  }
0x33: {  	p0 =	seq.s32 s10, $0x1;
	s10 =	sld [smem:$0x3FB4];
	_ =	sdelay $0x3  }
0x34: {  	[smem:$0x3FB4] =	sst s10  }
0x35: {  	s10 =	sld [smem:$0x3FB3];
	_ =	sdelay $0x3  }
0x36: {  	p1 =	seq.s32 s10, $0x1;
	s10 =	sld [smem:$0x3FB4];
	_ =	sdelay $0x3  }
0x37: {  	[smem:$0x3FB4] =	sst s10  }
0x38: {  	s10 =	sld [smem:$0x3FB5]  }
0x39: {  	_ = 	snop;
	(pc) =	sbr.ind lr, $3  }
0x3a: {  	_ = 	snop  }
0x3b: {  	_ = 	snop  }
0x3c: {  	p2 =	seq.s32 s10, $0x1;
	s10 =	sld [smem:$0x3FB4]  }
0x3d: {  	_ =	shalt  }
0x3e: {  	_ =	shalt  }
0x3f: {  	_ =	shalt  }
0x40: {  	_ =	shalt  }
0x41: {  	_ =	shalt  }
0x42: {  	_ =	shalt  }
0x43: {  	_ =	shalt  }
0x44: {  	_ =	shalt  }
0x45: {  	_ =	shalt  }
0x46: {  	_ =	shalt  }
0x47: {  	_ =	shalt  }
0x48: {  	_ =	shalt  }
0x49: {  	_ =	shalt  }
0x4a: {  	_ =	shalt  }
0x4b: {  	_ =	shalt  }
0x4c: {  	_ =	shalt  }
0x4d: {  	_ =	shalt  }
0x4e: {  	_ =	shalt  }
0x4f: {  	_ =	shalt  }
0x50: {  	_ =	shalt  }
0x51: {  	_ =	shalt  }
0x52: {  	_ =	shalt  }
0x53: {  	_ =	shalt  }
0x54: {  	_ =	shalt  }
0x55: {  	_ =	shalt  }
0x56: {  	_ =	shalt  }
0x57: {  	_ =	shalt  }
0x58: {  	_ =	shalt  }
0x59: {  	_ =	shalt  }
0x5a: {  	_ =	shalt  }
0x5b: {  	_ =	shalt  }
0x5c: {  	_ =	shalt  }
0x5d: {  	_ =	shalt  }
0x5e: {  	_ =	shalt  }
0x5f: {  	_ =	shalt  }
0x60: {  	_ =	shalt  }
0x61: {  	_ =	shalt  }
0x62: {  	_ =	shalt  }
0x63: {  	_ =	shalt  }
0x64: {  	_ =	shalt  }
0x65: {  	_ =	shalt  }
0x66: {  	_ =	shalt  }
0x67: {  	_ =	shalt  }
0x68: {  	_ =	shalt  }
0x69: {  	_ =	shalt  }
0x6a: {  	_ =	shalt  }
0x6b: {  	_ =	shalt  }
0x6c: {  	_ =	shalt  }
0x6d: {  	_ =	shalt  }
0x6e: {  	_ =	shalt  }
0x6f: {  	_ =	shalt  }
0x70: {  	_ =	shalt  }
0x71: {  	_ =	shalt  }
0x72: {  	_ =	shalt  }
0x73: {  	_ =	shalt  }
0x74: {  	_ =	shalt  }
0x75: {  	_ =	shalt  }
0x76: {  	_ =	shalt  }
0x77: {  	_ =	shalt  }
0x78: {  	_ =	shalt  }
0x79: {  	_ =	shalt  }
0x7a: {  	_ =	shalt  }
0x7b: {  	_ =	shalt  }
0x7c: {  	_ =	shalt  }
0x7d: {  	_ =	shalt  }
0x7e: {  	_ =	shalt  }
0x7f: {  	_ =	shalt  }
0x80: {  	_ =	shalt  }
0x81: {  	_ =	shalt  }
0x82: {  	_ =	shalt  }
0x83: {  	_ =	shalt  }
0x84: {  	_ =	shalt  }
0x85: {  	_ =	shalt  }
0x86: {  	_ =	shalt  }
0x87: {  	_ =	shalt  }
.Lfunc_end0:
.L_simem_size_0:
called_computation.1_lowered:
.L_overlay_start_0:
0x88: {  	s2 =	sld [smem:$0x3FD9]  }
0x89: {  	s3 =	sld [smem:$0x3FFE];
	_ =	sdelay $0x1  }
0x8a: {  	s1 =	srdreg.scid  }
0x8b: {  	s0 =	sand.u32 $0x1, s1  }
0x8c: {  	s16 =	sshll.u32 s0, $0xA;
	s2 =	sadd.s32 s3, s2  }
0x8d: {  	s2 =	sadd.s32 s2, s16  }
0x8e: {  	[smem:$0x3FC0] =	sst s2  }
0x8f: {  	_ = 	snop  }
0x90: {  	(tm) =	ssettm $0x1  }
0x91: {  	s17 =	sld [smem:$0x3FFB];
	_ =	sdelay $0x3  }
0x92: {  	_ =	strace s17  }
0x93: {  	s2 =	sld [smem:$0x3FFC];
	_ =	sdelay $0x3  }
0x94: {  	_ =	strace s2  }
0x95: {  	s2 =	sld [smem:$0x3FFD];
	_ =	sdelay $0x3  }
0x96: {  	_ =	strace s2  }
0x97: {  	_ =	strace $0x8FFFFFFF  }
0x98: {  	s18 =	sld [smem:$0x3FDB];
	_ =	sdelay $0x1  }
0x99: {  	s19 =	simm.s32 $_scs_section_size  }
0x9a: {  	s4 =	simm.s32 $_size__tile_overlayer_lowered;
	s5 =	simm.s32 $_tile_overlayer_lowered  }
0x9b: {  	s22 =	simm.s32 $0x1BFF;
	s21 =	sshll.u32 s5, $0x1;
	s2 =	sadd.s32 s19, s18  }
0x9c: {  	s6 =	simm.s32 $0x0;
	s20 =	sshll.u32 s4, $0x1;
	s4 =	sadd.s32 s21, s2  }
0x9d: {  	[timem:s6], [sflag:s22] =	dma.local [hbm:s4], s20  }
0x9e: {  	_ =	swait.ge [sflag:s22], s20  }
0x9f: {  	s3 =	ssub.s32 $0x0, s20;
	[sflag:s22] =	ssyncset.done $0x0  }
0xa0: {  	[sflag:s22] =	ssyncadd.s32 s3;
	_ =	sdelay $0x1  }
0xa1: {  	s23 =	simm.s32 $0x1B8B  }
0xa2: {  	_ =	swait.ge [sflag:s23], $0x1  }
0xa3: {  	[sflag:s23] =	ssyncset.done $0x0  }
0xa4: {  	s25 =	simm.s32 $0x1B8E;
	s24 =	sld [smem:$0x3FFE];
	[sflag:s23] =	ssyncadd.s32 $0xFFFFFFFF  }
0xa5: {  	s26 =	simm.s32 $execute0_lowered;
	[smem:$0x3FD2] =	sst s25  }
0xa6: {  	s4 =	sshll.u32 s26, $0x1;
	_ =	strace $0x80000049;
	[dreg:$0x1] =	wrdreg $0xFFFFFFFF  }
0xa7: {  	s28 =	simm.s32 $_size_execute0_lowered;
	s2 =	sadd.s32 s2, s4;
	[dreg:$0x0] =	wrdreg $0x0  }
0xa8: {  	s4 =	sshll.u32 s28, $0x1;
	[dreg:$0x2] =	wrdreg s2  }
0xa9: {  	[dreg:$0x3] =	wrdreg s4  }
0xaa: {  	[dreg:$0x4] =	wrdreg $0xC0  }
0xab: {  	_ =	task [dreg:s6], $0x5FFFF  }
0xac: {  	[dreg:$0x1] =	wrdreg $0xFFFFFFFF  }
0xad: {  	[dreg:$0x0] =	wrdreg $0x60  }
0xae: {  	[dreg:$0x2] =	wrdreg s24  }
0xaf: {  	[dreg:$0x3] =	wrdreg $0x60000  }
0xb0: {  	[dreg:$0x4] =	wrdreg $0x9  }
0xb1: {  	_ =	task.clear_ibuf [dreg:s6], $0x5FFFF;
	_ =	strace $0x90000049  }
0xb2: {  	s29 =	simm.s32 $0x9;
	_ =	strace $0x8000004B  }
0xb3: {  	_ =	swait.ge [sflag:s29], $0x1  }
0xb4: {  	[sflag:s29] =	ssyncadd.s32 $0xFFFFFFFF  }
0xb5: {  	_ =	strace $0x9000004B  }
0xb6: {  	_ =	sfence  }
0xb7: {  	s30 =	sld [smem:$0x0];
	_ =	sdelay $0x2  }
0xb8: {  	s31 =	sshll.u32 s1, $0xD;
	s1 =	sshrl.u32 s1, $0x2  }
0xb9: {  	s3 =	sand.u32 $0x4000, s31;
	s1 =	sadd.s32 s1, s30  }
0xba: {  	s0 =	sor.u32 s3, s0;
	s1 =	sshll.u32 s1, $0x11  }
0xbb: {  	s0 =	sor.u32 s1, s0  }
0xbc: {  	s0 =	sadd.s32 $0x8F2B, s0  }
0xbd: {  	[sflag:s0] =	ssyncadd.remote.s32 $0x1  }
0xbe: {  	_ =	sfence.sel $0xFFFF  }
0xbf: {  	[dreg:$0x0] =	wrdreg $0xFFFFFFFF;
	(pc) =	sbr.abs _section_cstart, $3  }
0xc0: {  	[dreg:$0x1] =	wrdreg $0xFFFFFFFF  }
0xc1: {  	_ =	task.clear_ibuf [dreg:s6], $0x2FFFF;
	_ =	strace $0x9FFFFFFF  }
0xc2: {  	(tm) =	ssettm $0x7FFFFFFF  }
0xc3: {  	_ =	shalt  }
tec
execute0_lowered:
.L_overlay_start_1:
0x0: {  	(tag) =	ssettag $0x1  }
0x1: {  	s1 =	srdreg.scid  }
0x2: {  	s0 =	stileid.u32;
	s6 =	rddreg [dreg:$0x0]  }
0x3: {  	s2 =	rddreg [dreg:$0x1];
	s3 =	simm.s32 $0x0;
	s14 =	simm.s32 $0x80  }
0x4: {  	s15 =	simm.s32 $0x5000;
	s16 =	simm.s32 $0x1;
	s17 =	simm.s32 $0x0  }
0x5: {  	s5 =	sand.u32 $0x1, s1;
	s28 =	sshll.u32 s0, $0x1;
	s8 =	smul.u32 $0x5000, s0  }
0x6: {  	[smem:$0x7FF] =	sst s3;
	s4 =	sadd.s32 $0x8BE00, s6;
	s31 =	sshll.u32 s0, $0x6  }
0x7: {  	s1 =	sor.u32 s5, s28;
	s9 =	smul.u32 $0x50000, s5;
	s5 =	ssub.s32 $0x2, s5  }
0x8: {  	s7 =	smul.u32 $0x500, s1;
	s1 =	rddreg [dreg:$0x2];
	_ =	strace $0x8000004A  }
0x9: {  	s30 =	sshrl.u32 s8, $0x3;
	s11 =	sshrl.u32 s5, $0x1;
	s13 =	sadd.s32 s8, s2  }
0xa: {  	s29 =	sadd.s32 s8, s9;
	s9 =	sadd.s32 s30, s6;
	s11 =	ssub.s32 s5, s11  }
0xb: {  	s10 =	sadd.s32 s7, s6;
	s7 =	sshrl.u32 s29, $0x3;
	s5 =	sadd.s32 $0x95C00, s9  }
0xc: {  	s12 =	sadd.s32 s7, s6;
	s6 =	sor.u32 $0x1C02, s31;
	s7 =	sadd.s32 $0xCA00, s10  }
0xd: {  	s8 =	sadd.s32 $0x2A00, s10;
	s10 =	smax.u32 s11, $0x1;
	s11 =	sshrl.u32 s13, $0x3  }
0xe: {  	s13 =	simm.s32 $0x2800;
	s9 =	sadd.s32 $0x9FC00, s12;
	s12 =	simm.s32 $0x2  }
.LBB2_1:
0xf: {  	[spmem:s11], [sflag:s6] =	dma.local [hbm:s5], $0xA00  }
0x10: {  	_ =	swait.ge [sflag:s12], $0xA00  }
0x11: {  	[sflag:s12] =	ssyncset.done $0x0  }
0x12: {  	[sflag:s12] =	ssyncadd.s32 $0xFFFFF600  }
0x13: {  	[tilespmem:s3], [sflag:$0x2] =	stream.linear.gather [hbm4b:s7+s3], $0x2800, $0x38;
	[tilespmem:$0xB000] =	vst v63  }
0x14: {  	_ =	swait.ge [sflag:s12], $0x2800  }
0x15: {  	[sflag:s12] =	ssyncset.done $0x0  }
0x16: {  	[sflag:s12] =	ssyncadd.s32 $0xFFFFD800  }
0x17: {  	[tilespmem:s13], [sflag:$0x2] =	stream.linear.gather [hbm4b:s8+s3], $0x2800, $0x38;
	[tilespmem:$0xB000] =	vst v63  }
0x18: {  	_ =	swait.ge [sflag:s12], $0x2800  }
0x19: {  	[sflag:s12] =	ssyncset.done $0x0  }
0x1a: {  	[sflag:s12] =	ssyncadd.s32 $0xFFFFD800  }
0x1b: {  	s18 =	simm.s32 $0x0;
	[bflag:$0x0] =	sbarrier.arrive $0xFFFF  }
0x1c: {  	[tilespmem:s15], [sflag:$0x1] =	stream.indirect.gather [hbm4b:s4+s14], $0x20, s18, s14, $0xb8;
	[tilespmem:$0xB000] =	vst v63  }
0x1d: {  	_ =	swait.ge [sflag:s16], $0x1000  }
0x1e: {  	[sflag:s16] =	ssyncset.done $0x0  }
0x1f: {  	s31 =	simm.s32 $0x2800;
	[sflag:s16] =	ssyncadd.s32 $0xFFFFF000  }
0x20: {  	[spmem:s2] =	stream.indirect.scatter.add.f32 [tilespmem:s15], [sflag:$0x2], $0x20, s31, s14, $0xb8;
	[tilespmem:$0xB000] =	vst v63  }
0x21: {  	_ =	swait.ge [sflag:s12], $0x1000  }
0x22: {  	s19 =	simm.s32 $0x400;
	s18 =	simm.s32 $0x200;
	[sflag:s12] =	ssyncset.done $0x0  }
.LBB2_2:
0x23: {  	s20 =	sshra.s32 s18, $0x2  }
0x24: {  	[sflag:s12] =	ssyncadd.s32 $0xFFFFF000;
	s18 =	smov.u32 s19;
	s21 =	sadd.s32 $0x200, s19  }
0x25: {  	[tilespmem:s15], [sflag:$0x1] =	stream.indirect.gather [hbm4b:s4+s14], $0x20, s20, s14, $0xb8;
	[tilespmem:$0xB000] =	vst v63  }
0x26: {  	p0 =	sne.s32 s19, $0x9E00;
	_ =	swait.ge [sflag:s16], $0x1000  }
.Ltmp0:
0x27: {  	[sflag:s16] =	ssyncset.done $0x0;
	(pc) =	sbr.rel @p0 .LBB2_2-.Ltmp0, $4  }
0x28: {  	s19 =	sadd.s32 $0x2800, s20;
	[sflag:s16] =	ssyncadd.s32 $0xFFFFF000  }
0x29: {  	[spmem:s2] =	stream.indirect.scatter.add.f32 [tilespmem:s15], [sflag:$0x2], $0x20, s19, s14, $0xb8;
	[tilespmem:$0xB000] =	vst v63  }
0x2a: {  	_ =	swait.ge [sflag:s12], $0x1000  }
0x2b: {  	s19 =	smov.u32 s21;
	[sflag:s12] =	ssyncset.done $0x0  }
0x2c: {  	s18 =	sshra.s32 s18, $0x2;
	[sflag:s12] =	ssyncadd.s32 $0xFFFFF000  }
0x2d: {  	[tilespmem:s15], [sflag:$0x1] =	stream.indirect.gather [hbm4b:s4+s14], $0x20, s18, s14, $0xb8;
	[tilespmem:$0xB000] =	vst v63  }
0x2e: {  	_ =	swait.ge [sflag:s16], $0x1000  }
0x2f: {  	[sflag:s16] =	ssyncset.done $0x0  }
0x30: {  	s18 =	sadd.s32 $0x2800, s18;
	[sflag:s16] =	ssyncadd.s32 $0xFFFFF000  }
0x31: {  	[spmem:s2] =	stream.indirect.scatter.add.f32 [tilespmem:s15], [sflag:$0x2], $0x20, s18, s14, $0xb8;
	[tilespmem:$0xB000] =	vst v63  }
0x32: {  	_ =	swait.ge [sflag:s12], $0x1000  }
0x33: {  	s17 =	sadd.s32 $0x1, s17;
	[sflag:s12] =	ssyncset.done $0x0  }
0x34: {  	p0 =	sne.s32 s17, s10;
	[sflag:s12] =	ssyncadd.s32 $0xFFFFF000  }
.Ltmp1:
0x35: {  	[bflag:$0x0] =	sbarrier.arrive $0xFFFF;
	(pc) =	sbr.rel @p0 .LBB2_1-.Ltmp1, $4  }
0x36: {  	[hbm:s9], [sflag:s6] =	dma.local [spmem:s11], $0xA00  }
0x37: {  	_ =	swait.ge [sflag:s12], $0xA00  }
0x38: {  	[sflag:s12] =	ssyncset.done $0x0  }
0x39: {  	[sflag:s12] =	ssyncadd.s32 $0xFFFFF600  }
0x3a: {  	_ =	sfence.sel $0x180000  }
0x3b: {  	[bflag:$0x0] =	sbarrier.arrive $0xFFFF  }
0x3c: {  	p0 =	sne.s32 s0, $0x0;
	_ =	strace $0x9000004A  }
0x3d: {  	s0 =	sadd.s32 @!p0 $0x100000, s1;
	[bflag:$0x2] =	sbarrier.arrive $0xFFFF  }
0x3e: {  	[sflag:s0] =	ssyncadd.tile.s32 @!p0 $0x1;
	_ =	shalt  }
.Lfunc_end2:
_tile_overlayer_lowered:
.L_overlay_start_2:
0x3f: {  	(tag) =	ssettag $0x2  }
0x40: {  	s0 =	rddreg [dreg:$0x0];
	s2 =	stileid.u32  }
0x41: {  	s1 =	rddreg [dreg:$0x1];
	p0 =	sne.s32 s2, $0x0  }
0x42: {  	s3 =	rddreg [dreg:$0x2];
	[bflag:$0x3] =	sbarrier.arrive $0xFFFF;
	s2 =	simm.s32 @!p0 $0x1C02  }
0x43: {  	[timem:s3], [sflag:s2] =	dma.local @!p0 [hbm:s0], s1  }
0x44: {  	s0 =	simm.s32 @!p0 $0x2  }
0x45: {  	_ =	swait.ge @!p0 [sflag:s0], s1  }
0x46: {  	s1 =	ssub.s32 @!p0 $0x0, s1;
	[sflag:s0] =	ssyncset.done @!p0 $0x0  }
0x47: {  	[sflag:s0] =	ssyncadd.s32 @!p0 s1  }
0x48: {  	[bflag:$0x3] =	sbarrier.arrive $0xFFFF  }
0x49: {  	_ =	shalt  }

// kernel: kernel.16.cloned.1.call-start
scs
__scs_entry_jumppad:
0x0: {  	(pc) =	sbr.rel $0x88, $3  }
0x1: {  	(tag) =	ssettag $0x0;
	lr =	simm.s32 $0x1  }
0x2: {  	[smem:$0x3F99] =	sst lr;
	_ =	strace $0xD0000000  }
0x3: {  	_ = 	snop  }
0x4: {  	_ = 	snop  }
0x5: {  	_ = 	snop  }
0x6: {  	_ = 	snop  }
0x7: {  	_ = 	snop  }
__scs_overlays_trampoline_lowered:
0x8: {  	[smem:$0x3FA8] =	sst s0  }
0x9: {  	[smem:$0x3FA9] =	sst s1  }
0xa: {  	[smem:$0x3FAA] =	sst s2  }
0xb: {  	[smem:$0x3FAB] =	sst s3  }
0xc: {  	[smem:$0x3FAC] =	sst s4  }
0xd: {  	[smem:$0x3FAD] =	sst s5  }
0xe: {  	[smem:$0x3FAE] =	sst s6  }
0xf: {  	[smem:$0x3FAF] =	sst s7  }
0x10: {  	[smem:$0x3FB0] =	sst s8  }
0x11: {  	[smem:$0x3FB1] =	sst s9;
	s0 =	simm.s32 @!p0 $0x0  }
0x12: {  	s1 =	sld [smem:$0x3F97];
	s0 =	simm.s32 @p0 $0x1  }
0x13: {  	[smem:$0x3FB2] =	sst s0;
	s0 =	simm.s32 @!p1 $0x0  }
0x14: {  	s2 =	sld [smem:$0x3F96];
	s0 =	simm.s32 @p1 $0x1  }
0x15: {  	[smem:$0x3FB3] =	sst s0;
	s0 =	simm.s32 @!p2 $0x0  }
0x16: {  	s3 =	sld [smem:$0x3FDB];
	s0 =	simm.s32 @p2 $0x1  }
0x17: {  	s4 =	simm.s32 $0x1BF5;
	[smem:$0x3FB5] =	sst s0  }
0x18: {  	s0 =	sld [smem:$0x3F98];
	_ =	swait.ge [sflag:s4], $0x0  }
0x19: {  	s7 =	sld [smem:$0x3F99]  }
0x1a: {  	s8 =	sadd.s32 $0xFFFFE003, lr  }
0x1b: {  	s9 =	sadd.s32 $0xFFFFFEF7, lr;
	s5 =	simm.s32 $0xFFFFFFFF;
	p2 =	slt.u32 s8, $0xFFFFF086  }
0x1c: {  	p1 =	slt.u32 s9, $0xF7A;
	s5 =	simm.s32 @!p2 $0x0  }
0x1d: {  	s5 =	simm.s32 @p1 $0x1;
	p0 =	seq.s32 s7, s2  }
0x1e: {  	s7 =	smul.u32 @!p0 $0xF7A, s2;
	p2 =	seq.s32 @!p0 s5, $0x0  }
0x1f: {  	s9 =	smul.u32 $0xF7A, s1;
	s8 =	simm.s32 @!p0 $0x1BF5;
	p2 =	por !p2, p0  }
0x20: {  	[sflag:s8] =	ssyncset.s32 @!p0 $0xFFFFF086;
	s6 =	sadd.s32 @!p0 s3, s7;
	s7 =	simm.s32 @!p0 $0x108  }
0x21: {  	s3 =	sadd.s32 s3, s9;
	s6 =	sadd.s32 @!p0 $0x88, s6;
	s7 =	simm.s32 @p2 $0x1082  }
0x22: {  	[simem:s7], [sflag:s8] =	dma.local @!p0 [hbm:s6], $0xF7A  }
0x23: {  	s9 =	sor.u32 $0xD0000000, s2;
	s6 =	simm.s32 $0x108;
	_ =	swait.ge @!p0 [sflag:s8], $0x0  }
0x24: {  	s3 =	sadd.s32 $0x88, s3;
	s6 =	simm.s32 @!p1 $0x1082;
	[sflag:s4] =	ssyncset.s32 $0xFFFFF086  }
0x25: {  	[simem:s6], [sflag:s4] =	dma.local [hbm:s3], $0xF7A  }
0x26: {  	[smem:$0x3F99] =	sst s1;
	(tag) =	ssettag s2;
	_ =	strace s9  }
0x27: {  	s1 =	sld [smem:$0x3FA9]  }
0x28: {  	s2 =	sld [smem:$0x3FAA]  }
0x29: {  	s4 =	sld [smem:$0x3FAC]  }
0x2a: {  	p0 =	seq.s32 s5, $0x0;
	s5 =	sld [smem:$0x3FAD]  }
0x2b: {  	s6 =	sld [smem:$0x3FAE]  }
0x2c: {  	s7 =	sld [smem:$0x3FAF]  }
0x2d: {  	s3 =	simm.s32 $0x108;
	s8 =	sld [smem:$0x3FB0]  }
0x2e: {  	s3 =	simm.s32 @!p0 $0x1082;
	s9 =	sld [smem:$0x3FB1]  }
0x2f: {  	lr =	sadd.s32 s0, s3;
	s0 =	sld [smem:$0x3FA8]  }
0x30: {  	s3 =	sld [smem:$0x3FAB]  }
0x31: {  	[smem:$0x3FB4] =	sst s10  }
0x32: {  	s10 =	sld [smem:$0x3FB2];
	_ =	sdelay $0x3  }
0x33: {  	p0 =	seq.s32 s10, $0x1;
	s10 =	sld [smem:$0x3FB4];
	_ =	sdelay $0x3  }
0x34: {  	[smem:$0x3FB4] =	sst s10  }
0x35: {  	s10 =	sld [smem:$0x3FB3];
	_ =	sdelay $0x3  }
0x36: {  	p1 =	seq.s32 s10, $0x1;
	s10 =	sld [smem:$0x3FB4];
	_ =	sdelay $0x3  }
0x37: {  	[smem:$0x3FB4] =	sst s10  }
0x38: {  	s10 =	sld [smem:$0x3FB5]  }
0x39: {  	_ = 	snop;
	(pc) =	sbr.ind lr, $3  }
0x3a: {  	_ = 	snop  }
0x3b: {  	_ = 	snop  }
0x3c: {  	p2 =	seq.s32 s10, $0x1;
	s10 =	sld [smem:$0x3FB4]  }
0x3d: {  	_ =	shalt  }
0x3e: {  	_ =	shalt  }
0x3f: {  	_ =	shalt  }
0x40: {  	_ =	shalt  }
0x41: {  	_ =	shalt  }
0x42: {  	_ =	shalt  }
0x43: {  	_ =	shalt  }
0x44: {  	_ =	shalt  }
0x45: {  	_ =	shalt  }
0x46: {  	_ =	shalt  }
0x47: {  	_ =	shalt  }
0x48: {  	_ =	shalt  }
0x49: {  	_ =	shalt  }
0x4a: {  	_ =	shalt  }
0x4b: {  	_ =	shalt  }
0x4c: {  	_ =	shalt  }
0x4d: {  	_ =	shalt  }
0x4e: {  	_ =	shalt  }
0x4f: {  	_ =	shalt  }
0x50: {  	_ =	shalt  }
0x51: {  	_ =	shalt  }
0x52: {  	_ =	shalt  }
0x53: {  	_ =	shalt  }
0x54: {  	_ =	shalt  }
0x55: {  	_ =	shalt  }
0x56: {  	_ =	shalt  }
0x57: {  	_ =	shalt  }
0x58: {  	_ =	shalt  }
0x59: {  	_ =	shalt  }
0x5a: {  	_ =	shalt  }
0x5b: {  	_ =	shalt  }
0x5c: {  	_ =	shalt  }
0x5d: {  	_ =	shalt  }
0x5e: {  	_ =	shalt  }
0x5f: {  	_ =	shalt  }
0x60: {  	_ =	shalt  }
0x61: {  	_ =	shalt  }
0x62: {  	_ =	shalt  }
0x63: {  	_ =	shalt  }
0x64: {  	_ =	shalt  }
0x65: {  	_ =	shalt  }
0x66: {  	_ =	shalt  }
0x67: {  	_ =	shalt  }
0x68: {  	_ =	shalt  }
0x69: {  	_ =	shalt  }
0x6a: {  	_ =	shalt  }
0x6b: {  	_ =	shalt  }
0x6c: {  	_ =	shalt  }
0x6d: {  	_ =	shalt  }
0x6e: {  	_ =	shalt  }
0x6f: {  	_ =	shalt  }
0x70: {  	_ =	shalt  }
0x71: {  	_ =	shalt  }
0x72: {  	_ =	shalt  }
0x73: {  	_ =	shalt  }
0x74: {  	_ =	shalt  }
0x75: {  	_ =	shalt  }
0x76: {  	_ =	shalt  }
0x77: {  	_ =	shalt  }
0x78: {  	_ =	shalt  }
0x79: {  	_ =	shalt  }
0x7a: {  	_ =	shalt  }
0x7b: {  	_ =	shalt  }
0x7c: {  	_ =	shalt  }
0x7d: {  	_ =	shalt  }
0x7e: {  	_ =	shalt  }
0x7f: {  	_ =	shalt  }
0x80: {  	_ =	shalt  }
0x81: {  	_ =	shalt  }
0x82: {  	_ =	shalt  }
0x83: {  	_ =	shalt  }
0x84: {  	_ =	shalt  }
0x85: {  	_ =	shalt  }
0x86: {  	_ =	shalt  }
0x87: {  	_ =	shalt  }
.Lfunc_end0:
.L_simem_size_0:
called_computation.2_lowered:
.L_overlay_start_0:
0x88: {  	s2 =	sld [smem:$0x3FD9]  }
0x89: {  	s3 =	sld [smem:$0x3FFE];
	_ =	sdelay $0x1  }
0x8a: {  	s1 =	srdreg.scid  }
0x8b: {  	s0 =	sand.u32 $0x1, s1  }
0x8c: {  	s16 =	sshll.u32 s0, $0xA;
	s2 =	sadd.s32 s3, s2  }
0x8d: {  	s2 =	sadd.s32 s2, s16  }
0x8e: {  	[smem:$0x3FC0] =	sst s2  }
0x8f: {  	_ = 	snop  }
0x90: {  	(tm) =	ssettm $0x1  }
0x91: {  	s17 =	sld [smem:$0x3FFB];
	_ =	sdelay $0x3  }
0x92: {  	_ =	strace s17  }
0x93: {  	s2 =	sld [smem:$0x3FFC];
	_ =	sdelay $0x3  }
0x94: {  	_ =	strace s2  }
0x95: {  	s2 =	sld [smem:$0x3FFD];
	_ =	sdelay $0x3  }
0x96: {  	_ =	strace s2  }
0x97: {  	_ =	strace $0x8FFFFFFF  }
0x98: {  	s18 =	sld [smem:$0x3FDB];
	_ =	sdelay $0x1  }
0x99: {  	s19 =	simm.s32 $_scs_section_size  }
0x9a: {  	s4 =	simm.s32 $_size__tile_overlayer_lowered;
	s5 =	simm.s32 $_tile_overlayer_lowered  }
0x9b: {  	s22 =	simm.s32 $0x1BFF;
	s21 =	sshll.u32 s5, $0x1;
	s2 =	sadd.s32 s19, s18  }
0x9c: {  	s6 =	simm.s32 $0x0;
	s20 =	sshll.u32 s4, $0x1;
	s4 =	sadd.s32 s21, s2  }
0x9d: {  	[timem:s6], [sflag:s22] =	dma.local [hbm:s4], s20  }
0x9e: {  	_ =	swait.ge [sflag:s22], s20  }
0x9f: {  	s3 =	ssub.s32 $0x0, s20;
	[sflag:s22] =	ssyncset.done $0x0  }
0xa0: {  	[sflag:s22] =	ssyncadd.s32 s3;
	_ =	sdelay $0x1  }
0xa1: {  	s23 =	simm.s32 $0x1B8B  }
0xa2: {  	_ =	swait.ge [sflag:s23], $0x1  }
0xa3: {  	[sflag:s23] =	ssyncset.done $0x0  }
0xa4: {  	s25 =	simm.s32 $0x1B8E;
	s24 =	sld [smem:$0x3FFE];
	[sflag:s23] =	ssyncadd.s32 $0xFFFFFFFF  }
0xa5: {  	s26 =	simm.s32 $execute0_lowered;
	[smem:$0x3FD2] =	sst s25  }
0xa6: {  	s4 =	sshll.u32 s26, $0x1;
	_ =	strace $0x8000004C;
	[dreg:$0x1] =	wrdreg $0xFFFFFFFF  }
0xa7: {  	s28 =	simm.s32 $_size_execute0_lowered;
	s2 =	sadd.s32 s2, s4;
	[dreg:$0x0] =	wrdreg $0x0  }
0xa8: {  	s4 =	sshll.u32 s28, $0x1;
	[dreg:$0x2] =	wrdreg s2  }
0xa9: {  	[dreg:$0x3] =	wrdreg s4  }
0xaa: {  	[dreg:$0x4] =	wrdreg $0xC0  }
0xab: {  	_ =	task [dreg:s6], $0x5FFFF  }
0xac: {  	[dreg:$0x1] =	wrdreg $0xFFFFFFFF  }
0xad: {  	[dreg:$0x0] =	wrdreg $0x60  }
0xae: {  	[dreg:$0x2] =	wrdreg s24  }
0xaf: {  	[dreg:$0x3] =	wrdreg $0x60000  }
0xb0: {  	[dreg:$0x4] =	wrdreg $0x9  }
0xb1: {  	_ =	task.clear_ibuf [dreg:s6], $0x5FFFF;
	_ =	strace $0x9000004C  }
0xb2: {  	s29 =	simm.s32 $0x9;
	_ =	strace $0x8000004E  }
0xb3: {  	_ =	swait.ge [sflag:s29], $0x1  }
0xb4: {  	[sflag:s29] =	ssyncadd.s32 $0xFFFFFFFF  }
0xb5: {  	_ =	strace $0x9000004E  }
0xb6: {  	_ =	sfence  }
0xb7: {  	s30 =	sld [smem:$0x0];
	_ =	sdelay $0x2  }
0xb8: {  	s31 =	sshll.u32 s1, $0xD;
	s1 =	sshrl.u32 s1, $0x2  }
0xb9: {  	s3 =	sand.u32 $0x4000, s31;
	s1 =	sadd.s32 s1, s30  }
0xba: {  	s0 =	sor.u32 s3, s0;
	s1 =	sshll.u32 s1, $0x11  }
0xbb: {  	s0 =	sor.u32 s1, s0  }
0xbc: {  	s0 =	sadd.s32 $0x8F2B, s0  }
0xbd: {  	[sflag:s0] =	ssyncadd.remote.s32 $0x1  }
0xbe: {  	_ =	sfence.sel $0xFFFF  }
0xbf: {  	[dreg:$0x0] =	wrdreg $0xFFFFFFFF;
	(pc) =	sbr.abs _section_cstart, $3  }
0xc0: {  	[dreg:$0x1] =	wrdreg $0xFFFFFFFF  }
0xc1: {  	_ =	task.clear_ibuf [dreg:s6], $0x2FFFF;
	_ =	strace $0x9FFFFFFF  }
0xc2: {  	(tm) =	ssettm $0x7FFFFFFF  }
0xc3: {  	_ =	shalt  }
tec
execute0_lowered:
.L_overlay_start_1:
0x0: {  	(tag) =	ssettag $0x1  }
0x1: {  	s1 =	srdreg.scid  }
0x2: {  	s0 =	stileid.u32;
	s6 =	rddreg [dreg:$0x0]  }
0x3: {  	s2 =	rddreg [dreg:$0x1];
	s3 =	simm.s32 $0x0;
	s14 =	simm.s32 $0x80  }
0x4: {  	s15 =	simm.s32 $0x5000;
	s16 =	simm.s32 $0x1;
	s17 =	simm.s32 $0x0  }
0x5: {  	s5 =	sand.u32 $0x1, s1;
	s28 =	sshll.u32 s0, $0x1;
	s8 =	smul.u32 $0x5000, s0  }
0x6: {  	[smem:$0x7FF] =	sst s3;
	s4 =	sadd.s32 $0x64C00, s6;
	s31 =	sshll.u32 s0, $0x6  }
0x7: {  	s1 =	sor.u32 s5, s28;
	s9 =	smul.u32 $0x50000, s5;
	s5 =	ssub.s32 $0x2, s5  }
0x8: {  	s7 =	smul.u32 $0x500, s1;
	s1 =	rddreg [dreg:$0x2];
	_ =	strace $0x8000004D  }
0x9: {  	s30 =	sshrl.u32 s8, $0x3;
	s11 =	sshrl.u32 s5, $0x1;
	s13 =	sadd.s32 s8, s2  }
0xa: {  	s29 =	sadd.s32 s8, s9;
	s9 =	sadd.s32 s30, s6;
	s11 =	ssub.s32 s5, s11  }
0xb: {  	s10 =	sadd.s32 s7, s6;
	s7 =	sshrl.u32 s29, $0x3;
	s5 =	sadd.s32 $0x95C00, s9  }
0xc: {  	s12 =	sadd.s32 s7, s6;
	s6 =	sor.u32 $0x1C02, s31;
	s7 =	sadd.s32 $0xCA00, s10  }
0xd: {  	s8 =	sadd.s32 $0x2A00, s10;
	s10 =	smax.u32 s11, $0x1;
	s11 =	sshrl.u32 s13, $0x3  }
0xe: {  	s13 =	simm.s32 $0x2800;
	s9 =	sadd.s32 $0x6EA00, s12;
	s12 =	simm.s32 $0x2  }
.LBB2_1:
0xf: {  	[spmem:s11], [sflag:s6] =	dma.local [hbm:s5], $0xA00  }
0x10: {  	_ =	swait.ge [sflag:s12], $0xA00  }
0x11: {  	[sflag:s12] =	ssyncset.done $0x0  }
0x12: {  	[sflag:s12] =	ssyncadd.s32 $0xFFFFF600  }
0x13: {  	[tilespmem:s3], [sflag:$0x2] =	stream.linear.gather [hbm4b:s7+s3], $0x2800, $0x38;
	[tilespmem:$0xB000] =	vst v63  }
0x14: {  	_ =	swait.ge [sflag:s12], $0x2800  }
0x15: {  	[sflag:s12] =	ssyncset.done $0x0  }
0x16: {  	[sflag:s12] =	ssyncadd.s32 $0xFFFFD800  }
0x17: {  	[tilespmem:s13], [sflag:$0x2] =	stream.linear.gather [hbm4b:s8+s3], $0x2800, $0x38;
	[tilespmem:$0xB000] =	vst v63  }
0x18: {  	_ =	swait.ge [sflag:s12], $0x2800  }
0x19: {  	[sflag:s12] =	ssyncset.done $0x0  }
0x1a: {  	[sflag:s12] =	ssyncadd.s32 $0xFFFFD800  }
0x1b: {  	s18 =	simm.s32 $0x0;
	[bflag:$0x0] =	sbarrier.arrive $0xFFFF  }
0x1c: {  	[tilespmem:s15], [sflag:$0x1] =	stream.indirect.gather [hbm4b:s4+s14], $0x20, s18, s14, $0xb8;
	[tilespmem:$0xB000] =	vst v63  }
0x1d: {  	_ =	swait.ge [sflag:s16], $0x1000  }
0x1e: {  	[sflag:s16] =	ssyncset.done $0x0  }
0x1f: {  	s31 =	simm.s32 $0x2800;
	[sflag:s16] =	ssyncadd.s32 $0xFFFFF000  }
0x20: {  	[spmem:s2] =	stream.indirect.scatter.add.f32 [tilespmem:s15], [sflag:$0x2], $0x20, s31, s14, $0xb8;
	[tilespmem:$0xB000] =	vst v63  }
0x21: {  	_ =	swait.ge [sflag:s12], $0x1000  }
0x22: {  	s19 =	simm.s32 $0x400;
	s18 =	simm.s32 $0x200;
	[sflag:s12] =	ssyncset.done $0x0  }
.LBB2_2:
0x23: {  	s20 =	sshra.s32 s18, $0x2  }
0x24: {  	[sflag:s12] =	ssyncadd.s32 $0xFFFFF000;
	s18 =	smov.u32 s19;
	s21 =	sadd.s32 $0x200, s19  }
0x25: {  	[tilespmem:s15], [sflag:$0x1] =	stream.indirect.gather [hbm4b:s4+s14], $0x20, s20, s14, $0xb8;
	[tilespmem:$0xB000] =	vst v63  }
0x26: {  	p0 =	sne.s32 s19, $0x9E00;
	_ =	swait.ge [sflag:s16], $0x1000  }
.Ltmp0:
0x27: {  	[sflag:s16] =	ssyncset.done $0x0;
	(pc) =	sbr.rel @p0 .LBB2_2-.Ltmp0, $4  }
0x28: {  	s19 =	sadd.s32 $0x2800, s20;
	[sflag:s16] =	ssyncadd.s32 $0xFFFFF000  }
0x29: {  	[spmem:s2] =	stream.indirect.scatter.add.f32 [tilespmem:s15], [sflag:$0x2], $0x20, s19, s14, $0xb8;
	[tilespmem:$0xB000] =	vst v63  }
0x2a: {  	_ =	swait.ge [sflag:s12], $0x1000  }
0x2b: {  	s19 =	smov.u32 s21;
	[sflag:s12] =	ssyncset.done $0x0  }
0x2c: {  	s18 =	sshra.s32 s18, $0x2;
	[sflag:s12] =	ssyncadd.s32 $0xFFFFF000  }
0x2d: {  	[tilespmem:s15], [sflag:$0x1] =	stream.indirect.gather [hbm4b:s4+s14], $0x20, s18, s14, $0xb8;
	[tilespmem:$0xB000] =	vst v63  }
0x2e: {  	_ =	swait.ge [sflag:s16], $0x1000  }
0x2f: {  	[sflag:s16] =	ssyncset.done $0x0  }
0x30: {  	s18 =	sadd.s32 $0x2800, s18;
	[sflag:s16] =	ssyncadd.s32 $0xFFFFF000  }
0x31: {  	[spmem:s2] =	stream.indirect.scatter.add.f32 [tilespmem:s15], [sflag:$0x2], $0x20, s18, s14, $0xb8;
	[tilespmem:$0xB000] =	vst v63  }
0x32: {  	_ =	swait.ge [sflag:s12], $0x1000  }
0x33: {  	s17 =	sadd.s32 $0x1, s17;
	[sflag:s12] =	ssyncset.done $0x0  }
0x34: {  	p0 =	sne.s32 s17, s10;
	[sflag:s12] =	ssyncadd.s32 $0xFFFFF000  }
.Ltmp1:
0x35: {  	[bflag:$0x0] =	sbarrier.arrive $0xFFFF;
	(pc) =	sbr.rel @p0 .LBB2_1-.Ltmp1, $4  }
0x36: {  	[hbm:s9], [sflag:s6] =	dma.local [spmem:s11], $0xA00  }
0x37: {  	_ =	swait.ge [sflag:s12], $0xA00  }
0x38: {  	[sflag:s12] =	ssyncset.done $0x0  }
0x39: {  	[sflag:s12] =	ssyncadd.s32 $0xFFFFF600  }
0x3a: {  	_ =	sfence.sel $0x180000  }
0x3b: {  	[bflag:$0x0] =	sbarrier.arrive $0xFFFF  }
0x3c: {  	p0 =	sne.s32 s0, $0x0;
	_ =	strace $0x9000004D  }
0x3d: {  	s0 =	sadd.s32 @!p0 $0x100000, s1;
	[bflag:$0x2] =	sbarrier.arrive $0xFFFF  }
0x3e: {  	[sflag:s0] =	ssyncadd.tile.s32 @!p0 $0x1;
	_ =	shalt  }
.Lfunc_end2:
_tile_overlayer_lowered:
.L_overlay_start_2:
0x3f: {  	(tag) =	ssettag $0x2  }
0x40: {  	s0 =	rddreg [dreg:$0x0];
	s2 =	stileid.u32  }
0x41: {  	s1 =	rddreg [dreg:$0x1];
	p0 =	sne.s32 s2, $0x0  }
0x42: {  	s3 =	rddreg [dreg:$0x2];
	[bflag:$0x3] =	sbarrier.arrive $0xFFFF;
	s2 =	simm.s32 @!p0 $0x1C02  }
0x43: {  	[timem:s3], [sflag:s2] =	dma.local @!p0 [hbm:s0], s1  }
0x44: {  	s0 =	simm.s32 @!p0 $0x2  }
0x45: {  	_ =	swait.ge @!p0 [sflag:s0], s1  }
0x46: {  	s1 =	ssub.s32 @!p0 $0x0, s1;
	[sflag:s0] =	ssyncset.done @!p0 $0x0  }
0x47: {  	[sflag:s0] =	ssyncadd.s32 @!p0 s1  }
0x48: {  	[bflag:$0x3] =	sbarrier.arrive $0xFFFF  }
0x49: {  	_ =	shalt  }

// kernel: kernel.19.cloned.1.call-start
scs
__scs_entry_jumppad:
0x0: {  	(pc) =	sbr.rel $0x88, $3  }
0x1: {  	(tag) =	ssettag $0x0;
	lr =	simm.s32 $0x1  }
0x2: {  	[smem:$0x3F99] =	sst lr;
	_ =	strace $0xD0000000  }
0x3: {  	_ = 	snop  }
0x4: {  	_ = 	snop  }
0x5: {  	_ = 	snop  }
0x6: {  	_ = 	snop  }
0x7: {  	_ = 	snop  }
__scs_overlays_trampoline_lowered:
0x8: {  	[smem:$0x3FA8] =	sst s0  }
0x9: {  	[smem:$0x3FA9] =	sst s1  }
0xa: {  	[smem:$0x3FAA] =	sst s2  }
0xb: {  	[smem:$0x3FAB] =	sst s3  }
0xc: {  	[smem:$0x3FAC] =	sst s4  }
0xd: {  	[smem:$0x3FAD] =	sst s5  }
0xe: {  	[smem:$0x3FAE] =	sst s6  }
0xf: {  	[smem:$0x3FAF] =	sst s7  }
0x10: {  	[smem:$0x3FB0] =	sst s8  }
0x11: {  	[smem:$0x3FB1] =	sst s9;
	s0 =	simm.s32 @!p0 $0x0  }
0x12: {  	s1 =	sld [smem:$0x3F97];
	s0 =	simm.s32 @p0 $0x1  }
0x13: {  	[smem:$0x3FB2] =	sst s0;
	s0 =	simm.s32 @!p1 $0x0  }
0x14: {  	s2 =	sld [smem:$0x3F96];
	s0 =	simm.s32 @p1 $0x1  }
0x15: {  	[smem:$0x3FB3] =	sst s0;
	s0 =	simm.s32 @!p2 $0x0  }
0x16: {  	s3 =	sld [smem:$0x3FDB];
	s0 =	simm.s32 @p2 $0x1  }
0x17: {  	s4 =	simm.s32 $0x1BF5;
	[smem:$0x3FB5] =	sst s0  }
0x18: {  	s0 =	sld [smem:$0x3F98];
	_ =	swait.ge [sflag:s4], $0x0  }
0x19: {  	s7 =	sld [smem:$0x3F99]  }
0x1a: {  	s8 =	sadd.s32 $0xFFFFE003, lr  }
0x1b: {  	s9 =	sadd.s32 $0xFFFFFEF7, lr;
	s5 =	simm.s32 $0xFFFFFFFF;
	p2 =	slt.u32 s8, $0xFFFFF086  }
0x1c: {  	p1 =	slt.u32 s9, $0xF7A;
	s5 =	simm.s32 @!p2 $0x0  }
0x1d: {  	s5 =	simm.s32 @p1 $0x1;
	p0 =	seq.s32 s7, s2  }
0x1e: {  	s7 =	smul.u32 @!p0 $0xF7A, s2;
	p2 =	seq.s32 @!p0 s5, $0x0  }
0x1f: {  	s9 =	smul.u32 $0xF7A, s1;
	s8 =	simm.s32 @!p0 $0x1BF5;
	p2 =	por !p2, p0  }
0x20: {  	[sflag:s8] =	ssyncset.s32 @!p0 $0xFFFFF086;
	s6 =	sadd.s32 @!p0 s3, s7;
	s7 =	simm.s32 @!p0 $0x108  }
0x21: {  	s3 =	sadd.s32 s3, s9;
	s6 =	sadd.s32 @!p0 $0x88, s6;
	s7 =	simm.s32 @p2 $0x1082  }
0x22: {  	[simem:s7], [sflag:s8] =	dma.local @!p0 [hbm:s6], $0xF7A  }
0x23: {  	s9 =	sor.u32 $0xD0000000, s2;
	s6 =	simm.s32 $0x108;
	_ =	swait.ge @!p0 [sflag:s8], $0x0  }
0x24: {  	s3 =	sadd.s32 $0x88, s3;
	s6 =	simm.s32 @!p1 $0x1082;
	[sflag:s4] =	ssyncset.s32 $0xFFFFF086  }
0x25: {  	[simem:s6], [sflag:s4] =	dma.local [hbm:s3], $0xF7A  }
0x26: {  	[smem:$0x3F99] =	sst s1;
	(tag) =	ssettag s2;
	_ =	strace s9  }
0x27: {  	s1 =	sld [smem:$0x3FA9]  }
0x28: {  	s2 =	sld [smem:$0x3FAA]  }
0x29: {  	s4 =	sld [smem:$0x3FAC]  }
0x2a: {  	p0 =	seq.s32 s5, $0x0;
	s5 =	sld [smem:$0x3FAD]  }
0x2b: {  	s6 =	sld [smem:$0x3FAE]  }
0x2c: {  	s7 =	sld [smem:$0x3FAF]  }
0x2d: {  	s3 =	simm.s32 $0x108;
	s8 =	sld [smem:$0x3FB0]  }
0x2e: {  	s3 =	simm.s32 @!p0 $0x1082;
	s9 =	sld [smem:$0x3FB1]  }
0x2f: {  	lr =	sadd.s32 s0, s3;
	s0 =	sld [smem:$0x3FA8]  }
0x30: {  	s3 =	sld [smem:$0x3FAB]  }
0x31: {  	[smem:$0x3FB4] =	sst s10  }
0x32: {  	s10 =	sld [smem:$0x3FB2];
	_ =	sdelay $0x3  }
0x33: {  	p0 =	seq.s32 s10, $0x1;
	s10 =	sld [smem:$0x3FB4];
	_ =	sdelay $0x3  }
0x34: {  	[smem:$0x3FB4] =	sst s10  }
0x35: {  	s10 =	sld [smem:$0x3FB3];
	_ =	sdelay $0x3  }
0x36: {  	p1 =	seq.s32 s10, $0x1;
	s10 =	sld [smem:$0x3FB4];
	_ =	sdelay $0x3  }
0x37: {  	[smem:$0x3FB4] =	sst s10  }
0x38: {  	s10 =	sld [smem:$0x3FB5]  }
0x39: {  	_ = 	snop;
	(pc) =	sbr.ind lr, $3  }
0x3a: {  	_ = 	snop  }
0x3b: {  	_ = 	snop  }
0x3c: {  	p2 =	seq.s32 s10, $0x1;
	s10 =	sld [smem:$0x3FB4]  }
0x3d: {  	_ =	shalt  }
0x3e: {  	_ =	shalt  }
0x3f: {  	_ =	shalt  }
0x40: {  	_ =	shalt  }
0x41: {  	_ =	shalt  }
0x42: {  	_ =	shalt  }
0x43: {  	_ =	shalt  }
0x44: {  	_ =	shalt  }
0x45: {  	_ =	shalt  }
0x46: {  	_ =	shalt  }
0x47: {  	_ =	shalt  }
0x48: {  	_ =	shalt  }
0x49: {  	_ =	shalt  }
0x4a: {  	_ =	shalt  }
0x4b: {  	_ =	shalt  }
0x4c: {  	_ =	shalt  }
0x4d: {  	_ =	shalt  }
0x4e: {  	_ =	shalt  }
0x4f: {  	_ =	shalt  }
0x50: {  	_ =	shalt  }
0x51: {  	_ =	shalt  }
0x52: {  	_ =	shalt  }
0x53: {  	_ =	shalt  }
0x54: {  	_ =	shalt  }
0x55: {  	_ =	shalt  }
0x56: {  	_ =	shalt  }
0x57: {  	_ =	shalt  }
0x58: {  	_ =	shalt  }
0x59: {  	_ =	shalt  }
0x5a: {  	_ =	shalt  }
0x5b: {  	_ =	shalt  }
0x5c: {  	_ =	shalt  }
0x5d: {  	_ =	shalt  }
0x5e: {  	_ =	shalt  }
0x5f: {  	_ =	shalt  }
0x60: {  	_ =	shalt  }
0x61: {  	_ =	shalt  }
0x62: {  	_ =	shalt  }
0x63: {  	_ =	shalt  }
0x64: {  	_ =	shalt  }
0x65: {  	_ =	shalt  }
0x66: {  	_ =	shalt  }
0x67: {  	_ =	shalt  }
0x68: {  	_ =	shalt  }
0x69: {  	_ =	shalt  }
0x6a: {  	_ =	shalt  }
0x6b: {  	_ =	shalt  }
0x6c: {  	_ =	shalt  }
0x6d: {  	_ =	shalt  }
0x6e: {  	_ =	shalt  }
0x6f: {  	_ =	shalt  }
0x70: {  	_ =	shalt  }
0x71: {  	_ =	shalt  }
0x72: {  	_ =	shalt  }
0x73: {  	_ =	shalt  }
0x74: {  	_ =	shalt  }
0x75: {  	_ =	shalt  }
0x76: {  	_ =	shalt  }
0x77: {  	_ =	shalt  }
0x78: {  	_ =	shalt  }
0x79: {  	_ =	shalt  }
0x7a: {  	_ =	shalt  }
0x7b: {  	_ =	shalt  }
0x7c: {  	_ =	shalt  }
0x7d: {  	_ =	shalt  }
0x7e: {  	_ =	shalt  }
0x7f: {  	_ =	shalt  }
0x80: {  	_ =	shalt  }
0x81: {  	_ =	shalt  }
0x82: {  	_ =	shalt  }
0x83: {  	_ =	shalt  }
0x84: {  	_ =	shalt  }
0x85: {  	_ =	shalt  }
0x86: {  	_ =	shalt  }
0x87: {  	_ =	shalt  }
.Lfunc_end0:
.L_simem_size_0:
called_computation.3_lowered:
.L_overlay_start_0:
0x88: {  	s2 =	sld [smem:$0x3FD9]  }
0x89: {  	s3 =	sld [smem:$0x3FFE];
	_ =	sdelay $0x1  }
0x8a: {  	s1 =	srdreg.scid  }
0x8b: {  	s0 =	sand.u32 $0x1, s1  }
0x8c: {  	s17 =	sshll.u32 s0, $0xA;
	s2 =	sadd.s32 s3, s2  }
0x8d: {  	s2 =	sadd.s32 s2, s17  }
0x8e: {  	[smem:$0x3FC0] =	sst s2  }
0x8f: {  	_ = 	snop  }
0x90: {  	s2 =	sld [smem:$0x3FD0];
	(tm) =	ssettm $0x1  }
0x91: {  	s18 =	sld [smem:$0x3FFB];
	_ =	sdelay $0x3  }
0x92: {  	_ =	strace s18  }
0x93: {  	s3 =	sld [smem:$0x3FFC];
	_ =	sdelay $0x3  }
0x94: {  	_ =	strace s3  }
0x95: {  	s3 =	sld [smem:$0x3FFD];
	_ =	sdelay $0x3  }
0x96: {  	_ =	strace s3  }
0x97: {  	_ =	strace $0x8FFFFFFF  }
0x98: {  	s19 =	sld [smem:$0x3FDB];
	_ =	sdelay $0x1  }
0x99: {  	s4 =	simm.s32 $_scs_section_size  }
0x9a: {  	s5 =	simm.s32 $_size__tile_overlayer_lowered;
	s6 =	simm.s32 $_tile_overlayer_lowered  }
0x9b: {  	s22 =	simm.s32 $0x1BFF;
	s21 =	sshll.u32 s6, $0x1;
	s3 =	sadd.s32 s4, s19  }
0x9c: {  	s7 =	simm.s32 $0x0;
	s20 =	sshll.u32 s5, $0x1;
	s5 =	sadd.s32 s21, s3  }
0x9d: {  	[timem:s7], [sflag:s22] =	dma.local [hbm:s5], s20  }
0x9e: {  	_ =	swait.ge [sflag:s22], s20  }
0x9f: {  	s4 =	ssub.s32 $0x0, s20;
	[sflag:s22] =	ssyncset.done $0x0  }
0xa0: {  	[sflag:s22] =	ssyncadd.s32 s4;
	_ =	sdelay $0x1  }
0xa1: {  	s23 =	simm.s32 $0x1B8B  }
0xa2: {  	_ =	swait.ge [sflag:s23], $0x1  }
0xa3: {  	[sflag:s23] =	ssyncset.done $0x0  }
0xa4: {  	s25 =	simm.s32 $0x1B8E;
	s24 =	sld [smem:$0x3FFE];
	[sflag:s23] =	ssyncadd.s32 $0xFFFFFFFF  }
0xa5: {  	s26 =	simm.s32 $execute0_lowered;
	[smem:$0x3FD2] =	sst s25  }
0xa6: {  	s5 =	sshll.u32 s26, $0x1;
	_ =	strace $0x8000004F;
	[dreg:$0x1] =	wrdreg $0xFFFFFFFF  }
0xa7: {  	s28 =	simm.s32 $_size_execute0_lowered;
	s3 =	sadd.s32 s3, s5;
	[dreg:$0x0] =	wrdreg $0x0  }
0xa8: {  	s5 =	sshll.u32 s28, $0x1;
	[dreg:$0x2] =	wrdreg s3  }
0xa9: {  	[dreg:$0x3] =	wrdreg s5  }
0xaa: {  	[dreg:$0x4] =	wrdreg $0xC0  }
0xab: {  	_ =	task [dreg:s7], $0x5FFFF  }
0xac: {  	[dreg:$0x1] =	wrdreg $0xFFFFFFFF  }
0xad: {  	[dreg:$0x0] =	wrdreg $0x60  }
0xae: {  	[dreg:$0x2] =	wrdreg s2  }
0xaf: {  	[dreg:$0x3] =	wrdreg s24  }
0xb0: {  	[dreg:$0x4] =	wrdreg $0x58000  }
0xb1: {  	[dreg:$0x5] =	wrdreg $0x9  }
0xb2: {  	_ =	task.clear_ibuf [dreg:s7], $0x6FFFF;
	_ =	strace $0x9000004F  }
0xb3: {  	s29 =	simm.s32 $0x9;
	_ =	strace $0x80000051  }
0xb4: {  	_ =	swait.ge [sflag:s29], $0x1  }
0xb5: {  	[sflag:s29] =	ssyncadd.s32 $0xFFFFFFFF  }
0xb6: {  	_ =	strace $0x90000051  }
0xb7: {  	_ =	sfence  }
0xb8: {  	s30 =	sld [smem:$0x0];
	_ =	sdelay $0x2  }
0xb9: {  	s31 =	sshll.u32 s1, $0xD;
	s1 =	sshrl.u32 s1, $0x2  }
0xba: {  	s3 =	sand.u32 $0x4000, s31;
	s1 =	sadd.s32 s1, s30  }
0xbb: {  	s0 =	sor.u32 s3, s0;
	s1 =	sshll.u32 s1, $0x11  }
0xbc: {  	s0 =	sor.u32 s1, s0  }
0xbd: {  	s0 =	sadd.s32 $0x8F2B, s0  }
0xbe: {  	[sflag:s0] =	ssyncadd.remote.s32 $0x1  }
0xbf: {  	_ =	sfence.sel $0xFFFF  }
0xc0: {  	[dreg:$0x0] =	wrdreg $0xFFFFFFFF;
	(pc) =	sbr.abs _section_cstart, $3  }
0xc1: {  	[dreg:$0x1] =	wrdreg $0xFFFFFFFF  }
0xc2: {  	_ =	task.clear_ibuf [dreg:s7], $0x2FFFF;
	_ =	strace $0x9FFFFFFF  }
0xc3: {  	(tm) =	ssettm $0x7FFFFFFF  }
tec
execute0_lowered:
.L_overlay_start_1:
0x0: {  	(tag) =	ssettag $0x1  }
0x1: {  	s1 =	rddreg [dreg:$0x0]  }
0x2: {  	s2 =	srdreg.scid;
	s6 =	rddreg [dreg:$0x1]  }
0x3: {  	s0 =	stileid.u32;
	s3 =	rddreg [dreg:$0x2];
	s4 =	simm.s32 $0x0  }
0x4: {  	s14 =	simm.s32 $0x80;
	s15 =	simm.s32 $0x5000;
	s16 =	simm.s32 $0x1  }
0x5: {  	s17 =	simm.s32 $0x0;
	s5 =	sand.u32 $0x1, s2;
	s28 =	sshll.u32 s0, $0x1  }
0x6: {  	s8 =	smul.u32 $0x2800, s0;
	[smem:$0x7FF] =	sst s4;
	s31 =	sshll.u32 s0, $0x6  }
0x7: {  	s2 =	sor.u32 s5, s28;
	s9 =	smul.u32 $0x28000, s5;
	s5 =	ssub.s32 $0x2, s5  }
0x8: {  	s7 =	smul.u32 $0x500, s2;
	s2 =	rddreg [dreg:$0x3];
	_ =	strace $0x80000050  }
0x9: {  	s30 =	sshrl.u32 s8, $0x3;
	s11 =	sshrl.u32 s5, $0x1;
	s13 =	sadd.s32 s8, s3  }
0xa: {  	s29 =	sadd.s32 s8, s9;
	s9 =	sadd.s32 s30, s6;
	s11 =	ssub.s32 s5, s11  }
0xb: {  	s10 =	sadd.s32 s7, s6;
	s7 =	sshrl.u32 s29, $0x3;
	s5 =	sadd.s32 $0x64C00, s9  }
0xc: {  	s12 =	sadd.s32 s7, s6;
	s6 =	sor.u32 $0x1C02, s31;
	s7 =	sadd.s32 $0xCA00, s10  }
0xd: {  	s8 =	sadd.s32 $0x2A00, s10;
	s10 =	smax.u32 s11, $0x1;
	s11 =	sshrl.u32 s13, $0x3  }
0xe: {  	s13 =	simm.s32 $0x2800;
	s9 =	sadd.s32 $0x69C00, s12;
	s12 =	simm.s32 $0x2  }
.LBB2_1:
0xf: {  	[spmem:s11], [sflag:s6] =	dma.local [hbm:s5], $0x500  }
0x10: {  	_ =	swait.ge [sflag:s12], $0x500  }
0x11: {  	[sflag:s12] =	ssyncset.done $0x0  }
0x12: {  	[sflag:s12] =	ssyncadd.s32 $0xFFFFFB00  }
0x13: {  	[tilespmem:s4], [sflag:$0x2] =	stream.linear.gather [hbm4b:s7+s4], $0x2800, $0x38;
	[tilespmem:$0x8000] =	vst v63  }
0x14: {  	_ =	swait.ge [sflag:s12], $0x2800  }
0x15: {  	[sflag:s12] =	ssyncset.done $0x0  }
0x16: {  	[sflag:s12] =	ssyncadd.s32 $0xFFFFD800  }
0x17: {  	[tilespmem:s13], [sflag:$0x2] =	stream.linear.gather [hbm4b:s8+s4], $0x2800, $0x38;
	[tilespmem:$0x8000] =	vst v63  }
0x18: {  	_ =	swait.ge [sflag:s12], $0x2800  }
0x19: {  	[sflag:s12] =	ssyncset.done $0x0  }
0x1a: {  	[sflag:s12] =	ssyncadd.s32 $0xFFFFD800  }
0x1b: {  	s18 =	simm.s32 $0x0;
	[bflag:$0x0] =	sbarrier.arrive $0xFFFF  }
0x1c: {  	[tilespmem:s15], [sflag:$0x1] =	stream.indirect.gather [hbm4b:s1+s14], $0x10, s18, s14, $0xb8;
	[tilespmem:$0x8000] =	vst v63  }
0x1d: {  	_ =	swait.ge [sflag:s16], $0x800  }
0x1e: {  	[sflag:s16] =	ssyncset.done $0x0  }
0x1f: {  	s31 =	simm.s32 $0x2800;
	[sflag:s16] =	ssyncadd.s32 $0xFFFFF800  }
0x20: {  	[spmem:s3] =	stream.indirect.scatter.add.f32 [tilespmem:s15], [sflag:$0x2], $0x10, s31, s14, $0xb8;
	[tilespmem:$0x8000] =	vst v63  }
0x21: {  	_ =	swait.ge [sflag:s12], $0x800  }
0x22: {  	s19 =	simm.s32 $0x400;
	s18 =	simm.s32 $0x200;
	[sflag:s12] =	ssyncset.done $0x0  }
.LBB2_2:
0x23: {  	s20 =	sshra.s32 s18, $0x2  }
0x24: {  	[sflag:s12] =	ssyncadd.s32 $0xFFFFF800;
	s18 =	smov.u32 s19;
	s21 =	sadd.s32 $0x200, s19  }
0x25: {  	[tilespmem:s15], [sflag:$0x1] =	stream.indirect.gather [hbm4b:s1+s14], $0x10, s20, s14, $0xb8;
	[tilespmem:$0x8000] =	vst v63  }
0x26: {  	p0 =	sne.s32 s19, $0x9E00;
	_ =	swait.ge [sflag:s16], $0x800  }
.Ltmp0:
0x27: {  	[sflag:s16] =	ssyncset.done $0x0;
	(pc) =	sbr.rel @p0 .LBB2_2-.Ltmp0, $4  }
0x28: {  	s19 =	sadd.s32 $0x2800, s20;
	[sflag:s16] =	ssyncadd.s32 $0xFFFFF800  }
0x29: {  	[spmem:s3] =	stream.indirect.scatter.add.f32 [tilespmem:s15], [sflag:$0x2], $0x10, s19, s14, $0xb8;
	[tilespmem:$0x8000] =	vst v63  }
0x2a: {  	_ =	swait.ge [sflag:s12], $0x800  }
0x2b: {  	s19 =	smov.u32 s21;
	[sflag:s12] =	ssyncset.done $0x0  }
0x2c: {  	s18 =	sshra.s32 s18, $0x2;
	[sflag:s12] =	ssyncadd.s32 $0xFFFFF800  }
0x2d: {  	[tilespmem:s15], [sflag:$0x1] =	stream.indirect.gather [hbm4b:s1+s14], $0x10, s18, s14, $0xb8;
	[tilespmem:$0x8000] =	vst v63  }
0x2e: {  	_ =	swait.ge [sflag:s16], $0x800  }
0x2f: {  	[sflag:s16] =	ssyncset.done $0x0  }
0x30: {  	s18 =	sadd.s32 $0x2800, s18;
	[sflag:s16] =	ssyncadd.s32 $0xFFFFF800  }
0x31: {  	[spmem:s3] =	stream.indirect.scatter.add.f32 [tilespmem:s15], [sflag:$0x2], $0x10, s18, s14, $0xb8;
	[tilespmem:$0x8000] =	vst v63  }
0x32: {  	_ =	swait.ge [sflag:s12], $0x800  }
0x33: {  	s17 =	sadd.s32 $0x1, s17;
	[sflag:s12] =	ssyncset.done $0x0  }
0x34: {  	p0 =	sne.s32 s17, s10;
	[sflag:s12] =	ssyncadd.s32 $0xFFFFF800  }
.Ltmp1:
0x35: {  	[bflag:$0x0] =	sbarrier.arrive $0xFFFF;
	(pc) =	sbr.rel @p0 .LBB2_1-.Ltmp1, $4  }
0x36: {  	[hbm:s9], [sflag:s6] =	dma.local [spmem:s11], $0x500  }
0x37: {  	_ =	swait.ge [sflag:s12], $0x500  }
0x38: {  	[sflag:s12] =	ssyncset.done $0x0  }
0x39: {  	[sflag:s12] =	ssyncadd.s32 $0xFFFFFB00  }
0x3a: {  	_ =	sfence.sel $0x180000  }
0x3b: {  	[bflag:$0x0] =	sbarrier.arrive $0xFFFF  }
0x3c: {  	p0 =	sne.s32 s0, $0x0;
	_ =	strace $0x90000050  }
0x3d: {  	s0 =	sadd.s32 @!p0 $0x100000, s2;
	[bflag:$0x2] =	sbarrier.arrive $0xFFFF  }
0x3e: {  	[sflag:s0] =	ssyncadd.tile.s32 @!p0 $0x1;
	_ =	shalt  }
.Lfunc_end2:
_tile_overlayer_lowered:
.L_overlay_start_2:
0x3f: {  	(tag) =	ssettag $0x2  }
0x40: {  	s0 =	rddreg [dreg:$0x0];
	s2 =	stileid.u32  }
0x41: {  	s1 =	rddreg [dreg:$0x1];
	p0 =	sne.s32 s2, $0x0  }
0x42: {  	s3 =	rddreg [dreg:$0x2];
	[bflag:$0x3] =	sbarrier.arrive $0xFFFF;
	s2 =	simm.s32 @!p0 $0x1C02  }
0x43: {  	[timem:s3], [sflag:s2] =	dma.local @!p0 [hbm:s0], s1  }
0x44: {  	s0 =	simm.s32 @!p0 $0x2  }
0x45: {  	_ =	swait.ge @!p0 [sflag:s0], s1  }
0x46: {  	s1 =	ssub.s32 @!p0 $0x0, s1;
	[sflag:s0] =	ssyncset.done @!p0 $0x0  }
0x47: {  	[sflag:s0] =	ssyncadd.s32 @!p0 s1  }
0x48: {  	[bflag:$0x3] =	sbarrier.arrive $0xFFFF  }
0x49: {  	_ =	shalt  }

</sc_bundles>
